<compile_context>
chip_gen: v7x
topology: tpu7x:2x2x1
jax: 0.10.2.dev20260603
libtpu: 0.0.44.dev20260713+nightly
codegen_flags: <defaults>
</compile_context>

<pallas_src>
import functools

import jax
import jax.numpy as jnp
from jax.experimental import pallas as pl
from jax.experimental.pallas import tpu as pltpu
from jax.experimental.pallas import tpu_sc as plsc

N = 50000
D = 128
FE = 9
NF = 128
G = 32
EPS = 1e-5

ROW_TILE = 5000
HALF_TILE = 5000
MM_TILE = 2000
GATHER_WINDOW = 128
GATHER_BATCH = 4
FLAT = FE * N
FLAT_PAD = -(-FLAT // GATHER_WINDOW) * GATHER_WINDOW


def _stats_body(lv_ref, g_ref, b_ref, scale_ref, shift_ref, acc_ref):
    i = pl.program_id(0)

    @pl.when(i == 0)
    def _():
        acc_ref[...] = jnp.zeros_like(acc_ref)

    x = lv_ref[...]
    acc_ref[0:1, :] += jnp.sum(x, axis=0, keepdims=True)
    acc_ref[1:2, :] += jnp.sum(x * x, axis=0, keepdims=True)

    @pl.when(i == pl.num_programs(0) - 1)
    def _():
        r = jax.lax.broadcasted_iota(jnp.int32, (D, D), 0) // (D // G)
        c = jax.lax.broadcasted_iota(jnp.int32, (D, D), 1) // (D // G)
        m = (r == c).astype(jnp.float32)
        gs = jnp.dot(acc_ref[0:1, :], m, preferred_element_type=jnp.float32)
        gsq = jnp.dot(acc_ref[1:2, :], m, preferred_element_type=jnp.float32)
        cnt = float((D // G) * N)
        mean = gs / cnt
        var = gsq / cnt - mean * mean
        rstd = jax.lax.rsqrt(var + EPS)
        sc = g_ref[...] * rstd
        scale_ref[...] = sc
        shift_ref[...] = b_ref[...] - mean * sc


def _pack_pairs(y):
    lo = jax.lax.bitcast_convert_type(
        y[:, : D // 2].astype(jnp.bfloat16), jnp.uint16
    ).astype(jnp.uint32)
    hi = jax.lax.bitcast_convert_type(
        y[:, D // 2 :].astype(jnp.bfloat16), jnp.uint16
    ).astype(jnp.uint32)
    return jax.lax.bitcast_convert_type(lo | (hi << 16), jnp.float32)


def _norm_body(lv_a_ref, lv_b_ref, scale_ref, shift_ref, o_ref):
    s, t = scale_ref[...], shift_ref[...]
    ya = jnp.maximum(lv_a_ref[...] * s + t, 0.0)
    yb = jnp.maximum(lv_b_ref[...] * s + t, 0.0)
    o_ref[...] = jnp.concatenate([_pack_pairs(ya), _pack_pairs(yb)], axis=1)


def _mm_body(*refs):
    r_refs, (w_ref, b_ref, o_ref) = refs[:FE], refs[FE:]
    acc = jnp.broadcast_to(b_ref[...], (o_ref.shape[0] // 2, 2 * NF))
    for f in range(FE):
        u = jax.lax.bitcast_convert_type(r_refs[f][...], jnp.uint32)
        lo = jax.lax.bitcast_convert_type(
            (u & 0xFFFF).astype(jnp.uint16), jnp.bfloat16
        )
        hi = jax.lax.bitcast_convert_type(
            (u >> 16).astype(jnp.uint16), jnp.bfloat16
        )
        reo = jnp.concatenate([lo, hi], axis=1)
        acc = acc + jnp.dot(reo, w_ref[f], preferred_element_type=jnp.float32)
    o_ref[...] = acc.reshape(o_ref.shape)


def _sc_gather(lv_r, idx_flat):
    total = idx_flat.shape[0]
    dcols = lv_r.shape[1]
    idx2 = idx_flat.reshape(total // GATHER_WINDOW, GATHER_WINDOW)
    mesh = plsc.VectorSubcoreMesh(core_axis_name="c", subcore_axis_name="s")

    @functools.partial(
        pl.kernel,
        out_type=jax.ShapeDtypeStruct((total, dcols), lv_r.dtype),
        mesh=mesh,
        compiler_params=pltpu.CompilerParams(use_tc_tiling_on_sc=False),
    )
    def gk(x_hbm, i_hbm, o_hbm):
        def body(i_vmem, o_vmem):
            for bk in range(GATHER_BATCH):
                pltpu.sync_copy(
                    x_hbm.at[i_vmem.at[bk]],
                    o_vmem.at[pl.ds(bk * GATHER_WINDOW, GATHER_WINDOW)],
                )

        pltpu.emit_pipeline(
            body,
            grid=(total // (GATHER_WINDOW * GATHER_BATCH),),
            in_specs=[pl.BlockSpec((GATHER_BATCH, GATHER_WINDOW), lambda i: (i, 0))],
            out_specs=[
                pl.BlockSpec((GATHER_WINDOW * GATHER_BATCH, dcols), lambda i: (i, 0))
            ],
            core_axis_name=("c", "s"),
            dimension_semantics=(pltpu.PARALLEL,),
        )(i_hbm, o_hbm)

    return gk(lv_r, idx2)


def kernel(lv, neighbor_idx, gamma, beta, W, b):
    nt = N // ROW_TILE

    scale, shift = pl.pallas_call(
        _stats_body,
        grid=(nt,),
        in_specs=[
            pl.BlockSpec((ROW_TILE, D), lambda i: (i, 0)),
            pl.BlockSpec((1, D), lambda i: (0, 0)),
            pl.BlockSpec((1, D), lambda i: (0, 0)),
        ],
        out_specs=[
            pl.BlockSpec((1, D), lambda i: (0, 0)),
            pl.BlockSpec((1, D), lambda i: (0, 0)),
        ],
        out_shape=[
            jax.ShapeDtypeStruct((1, D), jnp.float32),
            jax.ShapeDtypeStruct((1, D), jnp.float32),
        ],
        scratch_shapes=[pltpu.VMEM((2, D), jnp.float32)],
    )(lv, gamma.reshape(1, D), beta.reshape(1, D))

    hb = N // 2 // HALF_TILE
    lv_r = pl.pallas_call(
        _norm_body,
        grid=(hb,),
        in_specs=[
            pl.BlockSpec((HALF_TILE, D), lambda i: (i, 0)),
            pl.BlockSpec((HALF_TILE, D), lambda i: (i + hb, 0)),
            pl.BlockSpec((1, D), lambda i: (0, 0)),
            pl.BlockSpec((1, D), lambda i: (0, 0)),
        ],
        out_specs=pl.BlockSpec((HALF_TILE, D), lambda i: (i, 0)),
        out_shape=jax.ShapeDtypeStruct((N // 2, D), jnp.float32),
    )(lv, lv, scale, shift)
    lv_r = lv_r.reshape(N, D // 2)

    idx = neighbor_idx.astype(jnp.int32)
    vrow = jnp.where(idx < N // 2, 2 * idx, 2 * idx - (N - 1))
    idx_flat = vrow.T.reshape(FLAT)
    pad = jnp.arange(FLAT_PAD - FLAT, dtype=jnp.int32)
    rows = _sc_gather(lv_r, jnp.concatenate([idx_flat, pad]))

    rows2 = rows.reshape(FLAT_PAD // 2, D)
    Wf = W.reshape(FE, D, NF).astype(jnp.bfloat16)
    Wlo, Whi = Wf[:, : D // 2, :], Wf[:, D // 2 :, :]
    Z = jnp.zeros_like(Wlo)
    Wr = jnp.concatenate(
        [
            jnp.concatenate([Wlo, Z], axis=2),
            jnp.concatenate([Z, Wlo], axis=2),
            jnp.concatenate([Whi, Z], axis=2),
            jnp.concatenate([Z, Whi], axis=2),
        ],
        axis=1,
    )
    mt = N // MM_TILE
    row_specs = [
        pl.BlockSpec(
            (MM_TILE // 2, D),
            functools.partial(lambda f, i: (f * mt + i, 0), f),
        )
        for f in range(FE)
    ]
    out = pl.pallas_call(
        _mm_body,
        grid=(mt,),
        in_specs=row_specs + [
            pl.BlockSpec((FE, 2 * D, 2 * NF), lambda i: (0, 0, 0)),
            pl.BlockSpec((1, 2 * NF), lambda i: (0, 0)),
        ],
        out_specs=pl.BlockSpec((MM_TILE, NF), lambda i: (i, 0)),
        out_shape=jax.ShapeDtypeStruct((N, NF), jnp.float32),
    )(*([rows2] * FE), Wr, jnp.concatenate([b, b]).reshape(1, 2 * NF))

    return out

# --- scband reference (transcript-rebuilt; emitter-appended) ---
"""Pipeline reference for scband-gn-relu-conv-25400436588653 (READ-ONLY COPY).

The authoritative reference and input builder live on the scoring server;
editing this copy changes nothing except your own understanding.
"""

import jax, jax.numpy as jnp
import numpy as np
import math

N = 50000        # lattice vertices
D = 128          # val_dim (input features per vertex)
FE = 9           # filter_extent for neighbourhood_size=1 on 3D permutohedral lattice
NF = 128         # nr_filters
G = 32           # GroupNorm groups (128 % 32 == 0)
EPS = 1e-5


def setup_inputs(seed: int = 0) -> dict:
    key = jax.random.key(seed)
    k1, k2, k3, k4 = jax.random.split(key, 4)
    lv = jax.random.normal(k1, (N, D), dtype=jnp.float32)
    neighbor_idx = jax.random.randint(k2, (N, FE), 0, N, dtype=jnp.int64)
    # GroupNorm affine params
    gamma = jnp.ones((D,), dtype=jnp.float32)
    beta = jnp.zeros((D,), dtype=jnp.float32)
    # Conv weight [filter_extent*val_dim, nr_filters], kaiming-uniform fan_out style
    fan_out = FE * D  # torch fan_out = weight.size(0) for 2D weight
    gain = math.sqrt(2.0)  # relu gain
    std = gain / math.sqrt(fan_out)
    bound = math.sqrt(3.0) * std
    W = jax.random.uniform(k3, (FE * D, NF), dtype=jnp.float32, minval=-bound, maxval=bound)
    b_bound = 1.0 / math.sqrt(fan_out)
    b = jax.random.uniform(k4, (NF,), dtype=jnp.float32, minval=-b_bound, maxval=b_bound)
    return {"lv": lv, "neighbor_idx": neighbor_idx, "gamma": gamma, "beta": beta, "W": W, "b": b}


def reference(lv, neighbor_idx, gamma, beta, W, b):
    # --- GroupNormLatticeModule: GroupNorm over [1, D, N]; stats per group over (D//G channels x N vertices)
    xt = lv.T.reshape(G, D // G, N)
    mean = jnp.mean(xt, axis=(1, 2), keepdims=True)
    var = jnp.var(xt, axis=(1, 2), keepdims=True)
    xn = (xt - mean) / jnp.sqrt(var + EPS)
    xn = xn.reshape(D, N)
    xn = xn * gamma[:, None] + beta[:, None]
    lv_n = xn.T  # [N, D]
    # --- ReLU
    lv_r = jax.nn.relu(lv_n)
    # --- ConvLatticeModule (ConvIm2RowLattice): gather filter_extent neighbor rows, im2row, matmul
    gathered = jnp.take(lv_r, neighbor_idx, axis=0)  # [N, FE, D]
    rows = gathered.reshape(N, FE * D)               # im2row
    out = rows @ W + b                               # [N, NF]
    return out

if __name__ == "__main__":
    import jax
    _d = setup_inputs()
    print(jax.jit(kernel)(*tuple(_d.values())))

</pallas_src>

<mosaic_0001>
#map = affine_map<(d0, d1) -> (0, 0)>
module attributes {stable_mosaic.version = 14 : i64} {
  func.func @gk(%arg0: i32, %arg1: i32, %arg2: memref<50000x64xf32, #tpu.memory_space<hbm>>, %arg3: memref<3516x128xi32, #tpu.memory_space<hbm>>, %arg4: memref<450048x64xf32, #tpu.memory_space<hbm>>) attributes {dimension_semantics = [#tpu.dimension_semantics<core_parallel>, #tpu.dimension_semantics<subcore_parallel>], iteration_bounds = array<i64: 2, 16>, scalar_prefetch = 0 : i64, scratch_operands = 0 : i64, tpu.core_type = #tpu.core_type<sc_vector_subcore>, window_params = [{transform_indices = #map}, {transform_indices = #map}, {transform_indices = #map}]} {
    %mul3A = arith.constant 1 : i32
    %mul3A_0 = arith.muli %arg1, %mul3A : i32
    %add3A = arith.constant 0 : i32
    %add3A_1 = arith.addi %add3A, %mul3A_0 : i32
    %mul3A_2 = arith.constant 16 : i32
    %mul3A_3 = arith.muli %arg0, %mul3A_2 : i32
    %add3A_4 = arith.addi %add3A_1, %mul3A_3 : i32
    %lt3A = arith.constant 15 : i32
    %lt3A_5 = arith.cmpi slt, %add3A_4, %lt3A : i32
    %jit3A = arith.constant 28 : i32
    %jit3A_6 = arith.constant 27 : i32
    %select_n3A = arith.select %lt3A_5, %jit3A, %jit3A_6 : i32
    %lt3A_7 = arith.constant 15 : i32
    %lt3A_8 = arith.cmpi slt, %add3A_4, %lt3A_7 : i32
    %mul3A_9 = arith.muli %add3A_4, %select_n3A : i32
    %mul3A_10 = arith.constant 27 : i32
    %mul3A_11 = arith.muli %add3A_4, %mul3A_10 : i32
    %add3A_12 = arith.constant 15 : i32
    %add3A_13 = arith.addi %mul3A_11, %add3A_12 : i32
    %select_n3A_14 = arith.select %lt3A_8, %mul3A_9, %add3A_13 : i32
    %mul3A_15 = arith.constant 1 : i32
    %mul3A_16 = arith.muli %mul3A_15, %select_n3A : i32
    "tpu.region"() ({
      %run_scoped3A = memref.alloca() : memref<2x4x128xi32, #tpu.memory_space<vmem>>
      %run_scoped3A_17 = tpu.sem_alloc : memref<2x!tpu.dma_semaphore, #tpu.memory_space<semaphore_mem>>
      %run_scoped3A_18 = memref.alloca() : memref<2x512x64xf32, #tpu.memory_space<vmem>>
      %run_scoped3A_19 = tpu.sem_alloc : memref<2x!tpu.dma_semaphore, #tpu.memory_space<semaphore_mem>>
      %gt3A = arith.constant 0 : i32
      %gt3A_20 = arith.cmpi sgt, %mul3A_16, %gt3A : i32
      %convert_element_type3A = arith.extui %gt3A_20 : i1 to i32
      %cond3A = arith.constant 0 : i32
      %cond3A_21 = arith.cmpi ne, %convert_element_type3A, %cond3A : i32
      scf.if %cond3A_21 {
        %mul3A_22 = arith.constant 1 : i32
        %mul3A_23 = arith.muli %mul3A_22, %select_n3A : i32
        %sub3A = arith.constant 1 : i32
        %sub3A_24 = arith.subi %mul3A_23, %sub3A : i32
        %eq3A = arith.constant 0 : i32
        %eq3A_25 = arith.cmpi eq, %sub3A_24, %eq3A : i32
        %add3A_26 = arith.constant 0 : i32
        %add3A_27 = arith.addi %add3A_26, %select_n3A_14 : i32
        %select_n3A_28 = arith.constant true
        %select_n3A_29 = arith.constant 0 : i32
        %select_n3A_30 = arith.constant -1 : i32
        %select_n3A_31 = arith.select %select_n3A_28, %select_n3A_30, %select_n3A_29 : i32
        %eq3A_32 = arith.constant -1 : i32
        %eq3A_33 = arith.cmpi eq, %select_n3A_31, %eq3A_32 : i32
        %sub3A_34 = arith.constant 1 : i32
        %sub3A_35 = arith.subi %select_n3A, %sub3A_34 : i32
        %select_n3A_36 = arith.select %eq3A_33, %sub3A_35, %select_n3A_31 : i32
        %add3A_37 = arith.addi %select_n3A_36, %select_n3A_14 : i32
        %select_n3A_38 = arith.constant true
        %select_n3A_39 = arith.constant 0 : i32
        %select_n3A_40 = arith.constant 1 : i32
        %select_n3A_41 = arith.select %select_n3A_38, %select_n3A_40, %select_n3A_39 : i32
        %eq3A_42 = arith.cmpi eq, %select_n3A_41, %select_n3A : i32
        %select_n3A_43 = arith.constant 0 : i32
        %select_n3A_44 = arith.select %eq3A_42, %select_n3A_43, %select_n3A_41 : i32
        %add3A_45 = arith.addi %select_n3A_44, %select_n3A_14 : i32
        %add3A_46 = arith.constant 1 : i32
        %add3A_47 = arith.addi %select_n3A_44, %add3A_46 : i32
        %select_n3A_48 = arith.constant true
        %select_n3A_49 = arith.select %select_n3A_48, %add3A_47, %select_n3A_44 : i32
        %eq3A_50 = arith.cmpi eq, %select_n3A_49, %select_n3A : i32
        %select_n3A_51 = arith.constant 0 : i32
        %select_n3A_52 = arith.select %eq3A_50, %select_n3A_51, %select_n3A_49 : i32
        %add3A_53 = arith.addi %select_n3A_52, %select_n3A_14 : i32
        "tpu.trace_start"() <{level = 10 : i32, message = "ep_initialize_0"}> : () -> ()
        %rem3A = arith.constant 0 : i32
        %rem3A_54 = arith.constant 2 : i32
        %rem3A_55 = arith.remui %rem3A, %rem3A_54 : i32
        %mul3A_56 = arith.constant 4 : i32
        %mul3A_57 = arith.muli %mul3A_56, %add3A_27 : i32
        %dma_start3A = arith.constant 0 : i32
        %dma_start3A_58 = arith.constant 0 : i32
        %dma_start3A_59 = tpu.memref_slice %run_scoped3A[%rem3A_55, %dma_start3A, %dma_start3A_58] : memref<2x4x128xi32, #tpu.memory_space<vmem>> -> memref<1x4x128xi32, #tpu.memory_space<vmem>>
        %dma_start3A_60 = tpu.memref_squeeze %dma_start3A_59 : memref<1x4x128xi32, #tpu.memory_space<vmem>> -> memref<4x128xi32, #tpu.memory_space<vmem>>
        %dma_start3A_61 = arith.constant 0 : i32
        %dma_start3A_62 = tpu.memref_slice %arg3[%mul3A_57, %dma_start3A_61] : memref<3516x128xi32, #tpu.memory_space<hbm>> -> memref<4x128xi32, #tpu.memory_space<hbm>>
        %dma_start3A_63 = tpu.memref_slice %run_scoped3A_17[%rem3A_55] : memref<2x!tpu.dma_semaphore, #tpu.memory_space<semaphore_mem>> -> memref<1x!tpu.dma_semaphore, #tpu.memory_space<semaphore_mem>>
        %dma_start3A_64 = tpu.memref_squeeze %dma_start3A_63 : memref<1x!tpu.dma_semaphore, #tpu.memory_space<semaphore_mem>> -> memref<!tpu.dma_semaphore, #tpu.memory_space<semaphore_mem>>
        %dma_start3A_65 = arith.constant 0 : i32
        %dma_start3A_66 = arith.constant 0 : i32
        %dma_start3A_67 = tpu.memref_slice %run_scoped3A[%rem3A_55, %dma_start3A_65, %dma_start3A_66] : memref<2x4x128xi32, #tpu.memory_space<vmem>> -> memref<1x4x128xi32, #tpu.memory_space<vmem>>
        %dma_start3A_68 = tpu.memref_squeeze %dma_start3A_67 : memref<1x4x128xi32, #tpu.memory_space<vmem>> -> memref<4x128xi32, #tpu.memory_space<vmem>>
        %dma_start3A_69 = arith.constant 0 : i32
        %dma_start3A_70 = tpu.memref_slice %arg3[%mul3A_57, %dma_start3A_69] : memref<3516x128xi32, #tpu.memory_space<hbm>> -> memref<4x128xi32, #tpu.memory_space<hbm>>
        tpu.enqueue_dma source(%dma_start3A_70 : memref<4x128xi32, #tpu.memory_space<hbm>>) target(%dma_start3A_68 : memref<4x128xi32, #tpu.memory_space<vmem>>) target_semaphore(%dma_start3A_64 : memref<!tpu.dma_semaphore, #tpu.memory_space<semaphore_mem>>)
        %add3A_71 = arith.constant 0 : i32
        %add3A_72 = arith.constant 1 : i32
        %add3A_73 = arith.addi %add3A_71, %add3A_72 : i32
        %select_n3A_74 = arith.constant true
        %select_n3A_75 = arith.constant 0 : i32
        %select_n3A_76 = arith.select %select_n3A_74, %add3A_73, %select_n3A_75 : i32
        %while3A = arith.constant 0 : i32
        %while3A_77 = arith.constant 0 : i32
        %while3A_78 = arith.constant 0 : i32
        %while3A_79 = arith.constant 0 : i32
        %while3A_80 = arith.constant 0 : i32
        "tpu.trace_stop"() : () -> ()
        %while3A_81 = arith.subi %mul3A_16, %while3A : i32
        %while3A_82 = arith.addi %while3A, %while3A_81 : i32
        %while3A_83 = arith.constant 1 : i32
        %while3A_84 = arith.divsi %while3A_81, %while3A_83 : i32
        %while3A_85 = arith.muli %while3A_84, %while3A_83 : i32
        %while3A_86 = arith.addi %while3A, %while3A_85 : i32
        %while3A_87 = arith.constant 1 : i32
        %while3A_88:5 = scf.for %while3A_142 = %while3A to %while3A_86 step %while3A_87 iter_args(%while3A_143 = %select_n3A_76, %while3A_144 = %while3A_77, %while3A_145 = %while3A_78, %while3A_146 = %while3A_79, %while3A_147 = %while3A_80) -> (i32, i32, i32, i32, i32)  : i32 {
          %mul3A_148 = arith.constant 1 : i32
          %mul3A_149 = arith.muli %mul3A_148, %select_n3A : i32
          %eq3A_150 = arith.constant 0 : i32
          %eq3A_151 = arith.cmpi eq, %while3A_142, %eq3A_150 : i32
          %sub3A_152 = arith.constant 1 : i32
          %sub3A_153 = arith.subi %mul3A_149, %sub3A_152 : i32
          %eq3A_154 = arith.cmpi eq, %while3A_142, %sub3A_153 : i32
          %add3A_155 = arith.addi %while3A_147, %select_n3A_14 : i32
          %sub3A_156 = arith.constant 1 : i32
          %sub3A_157 = arith.subi %while3A_147, %sub3A_156 : i32
          %select_n3A_158 = arith.constant true
          %select_n3A_159 = arith.select %select_n3A_158, %sub3A_157, %while3A_147 : i32
          %eq3A_160 = arith.constant -1 : i32
          %eq3A_161 = arith.cmpi eq, %select_n3A_159, %eq3A_160 : i32
          %sub3A_162 = arith.constant 1 : i32
          %sub3A_163 = arith.subi %select_n3A, %sub3A_162 : i32
          %select_n3A_164 = arith.select %eq3A_161, %sub3A_163, %select_n3A_159 : i32
          %add3A_165 = arith.addi %select_n3A_164, %select_n3A_14 : i32
          %add3A_166 = arith.constant 1 : i32
          %add3A_167 = arith.addi %while3A_147, %add3A_166 : i32
          %select_n3A_168 = arith.constant true
          %select_n3A_169 = arith.select %select_n3A_168, %add3A_167, %while3A_147 : i32
          %eq3A_170 = arith.cmpi eq, %select_n3A_169, %select_n3A : i32
          %select_n3A_171 = arith.constant 0 : i32
          %select_n3A_172 = arith.select %eq3A_170, %select_n3A_171, %select_n3A_169 : i32
          %add3A_173 = arith.addi %select_n3A_172, %select_n3A_14 : i32
          %add3A_174 = arith.constant 1 : i32
          %add3A_175 = arith.addi %select_n3A_172, %add3A_174 : i32
          %select_n3A_176 = arith.constant true
          %select_n3A_177 = arith.select %select_n3A_176, %add3A_175, %select_n3A_172 : i32
          %eq3A_178 = arith.cmpi eq, %select_n3A_177, %select_n3A : i32
          %select_n3A_179 = arith.constant 0 : i32
          %select_n3A_180 = arith.select %eq3A_178, %select_n3A_179, %select_n3A_177 : i32
          %add3A_181 = arith.addi %select_n3A_180, %select_n3A_14 : i32
          %ne3A = arith.cmpi ne, %add3A_155, %add3A_173 : i32
          %or3A = arith.constant false
          %or3A_182 = arith.ori %or3A, %ne3A : i1
          %or3A_183 = arith.constant false
          %or3A_184 = arith.ori %or3A_182, %or3A_183 : i1
          %sub3A_185 = arith.constant 2 : i32
          %sub3A_186 = arith.subi %mul3A_149, %sub3A_185 : i32
          %add3A_187 = arith.constant 1 : i32
          %add3A_188 = arith.addi %sub3A_186, %add3A_187 : i32
          %ge3A = arith.cmpi sge, %while3A_142, %add3A_188 : i32
          %not3A = arith.constant true
          %not3A_189 = arith.xori %ge3A, %not3A : i1
          %and3A = arith.andi %or3A_184, %not3A_189 : i1
          %convert_element_type3A_190 = arith.extui %and3A : i1 to i32
          %cond3A_191 = arith.constant 0 : i32
          %cond3A_192 = arith.cmpi ne, %convert_element_type3A_190, %cond3A_191 : i32
          scf.if %cond3A_192 {
            "tpu.trace_start"() <{level = 10 : i32, message = "ep_copy_in"}> : () -> ()
            %rem3A_307 = arith.constant 2 : i32
            %rem3A_308 = arith.remui %while3A_143, %rem3A_307 : i32
            %mul3A_309 = arith.constant 4 : i32
            %mul3A_310 = arith.muli %mul3A_309, %add3A_173 : i32
            %dma_start3A_311 = arith.constant 0 : i32
            %dma_start3A_312 = arith.constant 0 : i32
            %dma_start3A_313 = tpu.memref_slice %run_scoped3A[%rem3A_308, %dma_start3A_311, %dma_start3A_312] : memref<2x4x128xi32, #tpu.memory_space<vmem>> -> memref<1x4x128xi32, #tpu.memory_space<vmem>>
            %dma_start3A_314 = tpu.memref_squeeze %dma_start3A_313 : memref<1x4x128xi32, #tpu.memory_space<vmem>> -> memref<4x128xi32, #tpu.memory_space<vmem>>
            %dma_start3A_315 = arith.constant 0 : i32
            %dma_start3A_316 = tpu.memref_slice %arg3[%mul3A_310, %dma_start3A_315] : memref<3516x128xi32, #tpu.memory_space<hbm>> -> memref<4x128xi32, #tpu.memory_space<hbm>>
            %dma_start3A_317 = tpu.memref_slice %run_scoped3A_17[%rem3A_308] : memref<2x!tpu.dma_semaphore, #tpu.memory_space<semaphore_mem>> -> memref<1x!tpu.dma_semaphore, #tpu.memory_space<semaphore_mem>>
            %dma_start3A_318 = tpu.memref_squeeze %dma_start3A_317 : memref<1x!tpu.dma_semaphore, #tpu.memory_space<semaphore_mem>> -> memref<!tpu.dma_semaphore, #tpu.memory_space<semaphore_mem>>
            %dma_start3A_319 = arith.constant 0 : i32
            %dma_start3A_320 = arith.constant 0 : i32
            %dma_start3A_321 = tpu.memref_slice %run_scoped3A[%rem3A_308, %dma_start3A_319, %dma_start3A_320] : memref<2x4x128xi32, #tpu.memory_space<vmem>> -> memref<1x4x128xi32, #tpu.memory_space<vmem>>
            %dma_start3A_322 = tpu.memref_squeeze %dma_start3A_321 : memref<1x4x128xi32, #tpu.memory_space<vmem>> -> memref<4x128xi32, #tpu.memory_space<vmem>>
            %dma_start3A_323 = arith.constant 0 : i32
            %dma_start3A_324 = tpu.memref_slice %arg3[%mul3A_310, %dma_start3A_323] : memref<3516x128xi32, #tpu.memory_space<hbm>> -> memref<4x128xi32, #tpu.memory_space<hbm>>
            tpu.enqueue_dma source(%dma_start3A_324 : memref<4x128xi32, #tpu.memory_space<hbm>>) target(%dma_start3A_322 : memref<4x128xi32, #tpu.memory_space<vmem>>) target_semaphore(%dma_start3A_318 : memref<!tpu.dma_semaphore, #tpu.memory_space<semaphore_mem>>)
            "tpu.trace_stop"() : () -> ()
          } else {
          }
          %and3A_193 = arith.constant true
          %and3A_194 = arith.andi %and3A, %and3A_193 : i1
          %add3A_195 = arith.constant 1 : i32
          %add3A_196 = arith.addi %while3A_143, %add3A_195 : i32
          %select_n3A_197 = arith.select %and3A_194, %add3A_196, %while3A_143 : i32
          %ne3A_198 = arith.cmpi ne, %add3A_155, %add3A_173 : i32
          %or3A_199 = arith.constant false
          %or3A_200 = arith.ori %or3A_199, %ne3A_198 : i1
          %or3A_201 = arith.constant false
          %or3A_202 = arith.ori %or3A_200, %or3A_201 : i1
          %sub3A_203 = arith.constant 2 : i32
          %sub3A_204 = arith.subi %mul3A_149, %sub3A_203 : i32
          %add3A_205 = arith.constant 1 : i32
          %add3A_206 = arith.addi %sub3A_204, %add3A_205 : i32
          %ge3A_207 = arith.cmpi sge, %while3A_142, %add3A_206 : i32
          %not3A_208 = arith.constant true
          %not3A_209 = arith.xori %ge3A_207, %not3A_208 : i1
          %and3A_210 = arith.andi %or3A_202, %not3A_209 : i1
          %ne3A_211 = arith.cmpi ne, %add3A_155, %add3A_165 : i32
          %or3A_212 = arith.constant false
          %or3A_213 = arith.ori %or3A_212, %ne3A_211 : i1
          %or3A_214 = arith.constant false
          %or3A_215 = arith.ori %or3A_213, %or3A_214 : i1
          %or3A_216 = arith.ori %or3A_215, %eq3A_151 : i1
          %convert_element_type3A_217 = arith.extui %or3A_216 : i1 to i32
          %cond3A_218 = arith.constant 0 : i32
          %cond3A_219 = arith.cmpi ne, %convert_element_type3A_217, %cond3A_218 : i32
          scf.if %cond3A_219 {
            "tpu.trace_start"() <{level = 10 : i32, message = "ep_wait_in"}> : () -> ()
            %mul3A_307 = arith.constant 4 : i32
            %mul3A_308 = arith.muli %mul3A_307, %add3A_155 : i32
            %rem3A_309 = arith.constant 2 : i32
            %rem3A_310 = arith.remui %while3A_144, %rem3A_309 : i32
            %dma_wait3A = arith.constant 0 : i32
            %dma_wait3A_311 = arith.constant 0 : i32
            %dma_wait3A_312 = tpu.memref_slice %run_scoped3A[%rem3A_310, %dma_wait3A, %dma_wait3A_311] : memref<2x4x128xi32, #tpu.memory_space<vmem>> -> memref<1x4x128xi32, #tpu.memory_space<vmem>>
            %dma_wait3A_313 = tpu.memref_squeeze %dma_wait3A_312 : memref<1x4x128xi32, #tpu.memory_space<vmem>> -> memref<4x128xi32, #tpu.memory_space<vmem>>
            %dma_wait3A_314 = arith.constant 0 : i32
            %dma_wait3A_315 = tpu.memref_slice %arg3[%mul3A_308, %dma_wait3A_314] : memref<3516x128xi32, #tpu.memory_space<hbm>> -> memref<4x128xi32, #tpu.memory_space<hbm>>
            %dma_wait3A_316 = tpu.memref_slice %run_scoped3A_17[%rem3A_310] : memref<2x!tpu.dma_semaphore, #tpu.memory_space<semaphore_mem>> -> memref<1x!tpu.dma_semaphore, #tpu.memory_space<semaphore_mem>>
            %dma_wait3A_317 = tpu.memref_squeeze %dma_wait3A_316 : memref<1x!tpu.dma_semaphore, #tpu.memory_space<semaphore_mem>> -> memref<!tpu.dma_semaphore, #tpu.memory_space<semaphore_mem>>
            %dma_wait3A_318 = arith.constant 0 : i32
            %dma_wait3A_319 = arith.constant 0 : i32
            %dma_wait3A_320 = tpu.memref_slice %run_scoped3A[%rem3A_310, %dma_wait3A_318, %dma_wait3A_319] : memref<2x4x128xi32, #tpu.memory_space<vmem>> -> memref<1x4x128xi32, #tpu.memory_space<vmem>>
            %dma_wait3A_321 = tpu.memref_squeeze %dma_wait3A_320 : memref<1x4x128xi32, #tpu.memory_space<vmem>> -> memref<4x128xi32, #tpu.memory_space<vmem>>
            %dma_wait3A_322 = arith.constant 0 : i32
            %dma_wait3A_323 = tpu.memref_slice %arg3[%mul3A_308, %dma_wait3A_322] : memref<3516x128xi32, #tpu.memory_space<hbm>> -> memref<4x128xi32, #tpu.memory_space<hbm>>
            tpu.wait_dma2 semaphore(%dma_wait3A_317 : memref<!tpu.dma_semaphore, #tpu.memory_space<semaphore_mem>>) src(%dma_wait3A_323 : memref<4x128xi32, #tpu.memory_space<hbm>>) dst(%dma_wait3A_321 : memref<4x128xi32, #tpu.memory_space<vmem>>)
            "tpu.trace_stop"() : () -> ()
          } else {
          }
          %ne3A_220 = arith.cmpi ne, %add3A_155, %add3A_165 : i32
          %or3A_221 = arith.constant false
          %or3A_222 = arith.ori %or3A_221, %ne3A_220 : i1
          %or3A_223 = arith.constant false
          %or3A_224 = arith.ori %or3A_222, %or3A_223 : i1
          %or3A_225 = arith.ori %or3A_224, %eq3A_151 : i1
          %convert_element_type3A_226 = arith.extui %or3A_225 : i1 to i32
          %cond3A_227 = arith.constant 0 : i32
          %cond3A_228 = arith.cmpi ne, %convert_element_type3A_226, %cond3A_227 : i32
          scf.if %cond3A_228 {
          } else {
          }
          %rem3A_229 = arith.constant 2 : i32
          %rem3A_230 = arith.remui %while3A_144, %rem3A_229 : i32
          %rem3A_231 = arith.constant 2 : i32
          %rem3A_232 = arith.remui %while3A_145, %rem3A_231 : i32
          %run_scoped3A_233 = arith.constant 0 : i32
          "tpu.trace_start"() <{level = 10 : i32, message = "ep_run_kernel"}> : () -> ()
          "tpu.region"() ({
            %run_scoped3A_307 = tpu.sem_alloc : memref<!tpu.dma_semaphore, #tpu.memory_space<semaphore_mem>>
            %dma_start3A_308 = arith.constant 0 : i32
            %dma_start3A_309 = arith.constant 0 : i32
            %dma_start3A_310 = tpu.memref_slice %run_scoped3A_18[%rem3A_232, %dma_start3A_308, %dma_start3A_309] : memref<2x512x64xf32, #tpu.memory_space<vmem>> -> memref<1x512x64xf32, #tpu.memory_space<vmem>>
            %dma_start3A_311 = tpu.memref_squeeze %dma_start3A_310 : memref<1x512x64xf32, #tpu.memory_space<vmem>> -> memref<512x64xf32, #tpu.memory_space<vmem>>
            %dma_start3A_312 = arith.constant 0 : i32
            %dma_start3A_313 = arith.constant 0 : i32
            %dma_start3A_314 = tpu.memref_slice %dma_start3A_311[%dma_start3A_312, %dma_start3A_313] : memref<512x64xf32, #tpu.memory_space<vmem>> -> memref<128x64xf32, #tpu.memory_space<vmem>>
            %dma_start3A_315 = arith.constant 0 : i32
            %dma_start3A_316 = arith.constant 0 : i32
            %dma_start3A_317 = tpu.memref_slice %run_scoped3A[%rem3A_230, %dma_start3A_315, %dma_start3A_316] : memref<2x4x128xi32, #tpu.memory_space<vmem>> -> memref<1x4x128xi32, #tpu.memory_space<vmem>>
            %dma_start3A_318 = tpu.memref_squeeze %dma_start3A_317 : memref<1x4x128xi32, #tpu.memory_space<vmem>> -> memref<4x128xi32, #tpu.memory_space<vmem>>
            %dma_start3A_319 = arith.constant 0 : i32
            %dma_start3A_320 = tpu.memref_slice %dma_start3A_318[%run_scoped3A_233, %dma_start3A_319] : memref<4x128xi32, #tpu.memory_space<vmem>> -> memref<1x128xi32, #tpu.memory_space<vmem>>
            %dma_start3A_321 = tpu.memref_squeeze %dma_start3A_320 : memref<1x128xi32, #tpu.memory_space<vmem>> -> memref<128xi32, #tpu.memory_space<vmem>>
            %dma_start3A_322 = arith.constant 0 : i32
            %dma_start3A_323 = arith.constant 0 : i32
            %dma_start3A_324 = tpu.memref_slice %arg2[%dma_start3A_322, %dma_start3A_323] : memref<50000x64xf32, #tpu.memory_space<hbm>> -> memref<50000x64xf32, #tpu.memory_space<hbm>>
            tpu.enqueue_indirect_dma source(%dma_start3A_324 : memref<50000x64xf32, #tpu.memory_space<hbm>>) target(%dma_start3A_314 : memref<128x64xf32, #tpu.memory_space<vmem>>) offsets(%dma_start3A_321 : memref<128xi32, #tpu.memory_space<vmem>>) semaphore(%run_scoped3A_307 : memref<!tpu.dma_semaphore, #tpu.memory_space<semaphore_mem>>)
            %dma_wait3A = arith.constant 0 : i32
            %dma_wait3A_325 = arith.constant 0 : i32
            %dma_wait3A_326 = tpu.memref_slice %run_scoped3A_18[%rem3A_232, %dma_wait3A, %dma_wait3A_325] : memref<2x512x64xf32, #tpu.memory_space<vmem>> -> memref<1x512x64xf32, #tpu.memory_space<vmem>>
            %dma_wait3A_327 = tpu.memref_squeeze %dma_wait3A_326 : memref<1x512x64xf32, #tpu.memory_space<vmem>> -> memref<512x64xf32, #tpu.memory_space<vmem>>
            %dma_wait3A_328 = arith.constant 0 : i32
            %dma_wait3A_329 = arith.constant 0 : i32
            %dma_wait3A_330 = tpu.memref_slice %dma_wait3A_327[%dma_wait3A_328, %dma_wait3A_329] : memref<512x64xf32, #tpu.memory_space<vmem>> -> memref<128x64xf32, #tpu.memory_space<vmem>>
            %dma_wait3A_331 = arith.constant 0 : i32
            %dma_wait3A_332 = arith.constant 0 : i32
            %dma_wait3A_333 = tpu.memref_slice %run_scoped3A[%rem3A_230, %dma_wait3A_331, %dma_wait3A_332] : memref<2x4x128xi32, #tpu.memory_space<vmem>> -> memref<1x4x128xi32, #tpu.memory_space<vmem>>
            %dma_wait3A_334 = tpu.memref_squeeze %dma_wait3A_333 : memref<1x4x128xi32, #tpu.memory_space<vmem>> -> memref<4x128xi32, #tpu.memory_space<vmem>>
            %dma_wait3A_335 = arith.constant 0 : i32
            %dma_wait3A_336 = tpu.memref_slice %dma_wait3A_334[%run_scoped3A_233, %dma_wait3A_335] : memref<4x128xi32, #tpu.memory_space<vmem>> -> memref<1x128xi32, #tpu.memory_space<vmem>>
            %dma_wait3A_337 = tpu.memref_squeeze %dma_wait3A_336 : memref<1x128xi32, #tpu.memory_space<vmem>> -> memref<128xi32, #tpu.memory_space<vmem>>
            %dma_wait3A_338 = arith.constant 0 : i32
            %dma_wait3A_339 = arith.constant 0 : i32
            %dma_wait3A_340 = tpu.memref_slice %arg2[%dma_wait3A_338, %dma_wait3A_339] : memref<50000x64xf32, #tpu.memory_space<hbm>> -> memref<50000x64xf32, #tpu.memory_space<hbm>>
            tpu.wait_indirect_dma semaphore(%run_scoped3A_307 : memref<!tpu.dma_semaphore, #tpu.memory_space<semaphore_mem>>) src(%dma_wait3A_340 : memref<50000x64xf32, #tpu.memory_space<hbm>>) dst(%dma_wait3A_330 : memref<128x64xf32, #tpu.memory_space<vmem>>)
            tpu.yield
          }) : () -> ()
          %run_scoped3A_234 = arith.constant 1 : i32
          "tpu.region"() ({
            %run_scoped3A_307 = tpu.sem_alloc : memref<!tpu.dma_semaphore, #tpu.memory_space<semaphore_mem>>
            %dma_start3A_308 = arith.constant 0 : i32
            %dma_start3A_309 = arith.constant 0 : i32
            %dma_start3A_310 = tpu.memref_slice %run_scoped3A_18[%rem3A_232, %dma_start3A_308, %dma_start3A_309] : memref<2x512x64xf32, #tpu.memory_space<vmem>> -> memref<1x512x64xf32, #tpu.memory_space<vmem>>
            %dma_start3A_311 = tpu.memref_squeeze %dma_start3A_310 : memref<1x512x64xf32, #tpu.memory_space<vmem>> -> memref<512x64xf32, #tpu.memory_space<vmem>>
            %dma_start3A_312 = arith.constant 128 : i32
            %dma_start3A_313 = arith.constant 0 : i32
            %dma_start3A_314 = tpu.memref_slice %dma_start3A_311[%dma_start3A_312, %dma_start3A_313] : memref<512x64xf32, #tpu.memory_space<vmem>> -> memref<128x64xf32, #tpu.memory_space<vmem>>
            %dma_start3A_315 = arith.constant 0 : i32
            %dma_start3A_316 = arith.constant 0 : i32
            %dma_start3A_317 = tpu.memref_slice %run_scoped3A[%rem3A_230, %dma_start3A_315, %dma_start3A_316] : memref<2x4x128xi32, #tpu.memory_space<vmem>> -> memref<1x4x128xi32, #tpu.memory_space<vmem>>
            %dma_start3A_318 = tpu.memref_squeeze %dma_start3A_317 : memref<1x4x128xi32, #tpu.memory_space<vmem>> -> memref<4x128xi32, #tpu.memory_space<vmem>>
            %dma_start3A_319 = arith.constant 0 : i32
            %dma_start3A_320 = tpu.memref_slice %dma_start3A_318[%run_scoped3A_234, %dma_start3A_319] : memref<4x128xi32, #tpu.memory_space<vmem>> -> memref<1x128xi32, #tpu.memory_space<vmem>>
            %dma_start3A_321 = tpu.memref_squeeze %dma_start3A_320 : memref<1x128xi32, #tpu.memory_space<vmem>> -> memref<128xi32, #tpu.memory_space<vmem>>
            %dma_start3A_322 = arith.constant 0 : i32
            %dma_start3A_323 = arith.constant 0 : i32
            %dma_start3A_324 = tpu.memref_slice %arg2[%dma_start3A_322, %dma_start3A_323] : memref<50000x64xf32, #tpu.memory_space<hbm>> -> memref<50000x64xf32, #tpu.memory_space<hbm>>
            tpu.enqueue_indirect_dma source(%dma_start3A_324 : memref<50000x64xf32, #tpu.memory_space<hbm>>) target(%dma_start3A_314 : memref<128x64xf32, #tpu.memory_space<vmem>>) offsets(%dma_start3A_321 : memref<128xi32, #tpu.memory_space<vmem>>) semaphore(%run_scoped3A_307 : memref<!tpu.dma_semaphore, #tpu.memory_space<semaphore_mem>>)
            %dma_wait3A = arith.constant 0 : i32
            %dma_wait3A_325 = arith.constant 0 : i32
            %dma_wait3A_326 = tpu.memref_slice %run_scoped3A_18[%rem3A_232, %dma_wait3A, %dma_wait3A_325] : memref<2x512x64xf32, #tpu.memory_space<vmem>> -> memref<1x512x64xf32, #tpu.memory_space<vmem>>
            %dma_wait3A_327 = tpu.memref_squeeze %dma_wait3A_326 : memref<1x512x64xf32, #tpu.memory_space<vmem>> -> memref<512x64xf32, #tpu.memory_space<vmem>>
            %dma_wait3A_328 = arith.constant 128 : i32
            %dma_wait3A_329 = arith.constant 0 : i32
            %dma_wait3A_330 = tpu.memref_slice %dma_wait3A_327[%dma_wait3A_328, %dma_wait3A_329] : memref<512x64xf32, #tpu.memory_space<vmem>> -> memref<128x64xf32, #tpu.memory_space<vmem>>
            %dma_wait3A_331 = arith.constant 0 : i32
            %dma_wait3A_332 = arith.constant 0 : i32
            %dma_wait3A_333 = tpu.memref_slice %run_scoped3A[%rem3A_230, %dma_wait3A_331, %dma_wait3A_332] : memref<2x4x128xi32, #tpu.memory_space<vmem>> -> memref<1x4x128xi32, #tpu.memory_space<vmem>>
            %dma_wait3A_334 = tpu.memref_squeeze %dma_wait3A_333 : memref<1x4x128xi32, #tpu.memory_space<vmem>> -> memref<4x128xi32, #tpu.memory_space<vmem>>
            %dma_wait3A_335 = arith.constant 0 : i32
            %dma_wait3A_336 = tpu.memref_slice %dma_wait3A_334[%run_scoped3A_234, %dma_wait3A_335] : memref<4x128xi32, #tpu.memory_space<vmem>> -> memref<1x128xi32, #tpu.memory_space<vmem>>
            %dma_wait3A_337 = tpu.memref_squeeze %dma_wait3A_336 : memref<1x128xi32, #tpu.memory_space<vmem>> -> memref<128xi32, #tpu.memory_space<vmem>>
            %dma_wait3A_338 = arith.constant 0 : i32
            %dma_wait3A_339 = arith.constant 0 : i32
            %dma_wait3A_340 = tpu.memref_slice %arg2[%dma_wait3A_338, %dma_wait3A_339] : memref<50000x64xf32, #tpu.memory_space<hbm>> -> memref<50000x64xf32, #tpu.memory_space<hbm>>
            tpu.wait_indirect_dma semaphore(%run_scoped3A_307 : memref<!tpu.dma_semaphore, #tpu.memory_space<semaphore_mem>>) src(%dma_wait3A_340 : memref<50000x64xf32, #tpu.memory_space<hbm>>) dst(%dma_wait3A_330 : memref<128x64xf32, #tpu.memory_space<vmem>>)
            tpu.yield
          }) : () -> ()
          %run_scoped3A_235 = arith.constant 2 : i32
          "tpu.region"() ({
            %run_scoped3A_307 = tpu.sem_alloc : memref<!tpu.dma_semaphore, #tpu.memory_space<semaphore_mem>>
            %dma_start3A_308 = arith.constant 0 : i32
            %dma_start3A_309 = arith.constant 0 : i32
            %dma_start3A_310 = tpu.memref_slice %run_scoped3A_18[%rem3A_232, %dma_start3A_308, %dma_start3A_309] : memref<2x512x64xf32, #tpu.memory_space<vmem>> -> memref<1x512x64xf32, #tpu.memory_space<vmem>>
            %dma_start3A_311 = tpu.memref_squeeze %dma_start3A_310 : memref<1x512x64xf32, #tpu.memory_space<vmem>> -> memref<512x64xf32, #tpu.memory_space<vmem>>
            %dma_start3A_312 = arith.constant 256 : i32
            %dma_start3A_313 = arith.constant 0 : i32
            %dma_start3A_314 = tpu.memref_slice %dma_start3A_311[%dma_start3A_312, %dma_start3A_313] : memref<512x64xf32, #tpu.memory_space<vmem>> -> memref<128x64xf32, #tpu.memory_space<vmem>>
            %dma_start3A_315 = arith.constant 0 : i32
            %dma_start3A_316 = arith.constant 0 : i32
            %dma_start3A_317 = tpu.memref_slice %run_scoped3A[%rem3A_230, %dma_start3A_315, %dma_start3A_316] : memref<2x4x128xi32, #tpu.memory_space<vmem>> -> memref<1x4x128xi32, #tpu.memory_space<vmem>>
            %dma_start3A_318 = tpu.memref_squeeze %dma_start3A_317 : memref<1x4x128xi32, #tpu.memory_space<vmem>> -> memref<4x128xi32, #tpu.memory_space<vmem>>
            %dma_start3A_319 = arith.constant 0 : i32
            %dma_start3A_320 = tpu.memref_slice %dma_start3A_318[%run_scoped3A_235, %dma_start3A_319] : memref<4x128xi32, #tpu.memory_space<vmem>> -> memref<1x128xi32, #tpu.memory_space<vmem>>
            %dma_start3A_321 = tpu.memref_squeeze %dma_start3A_320 : memref<1x128xi32, #tpu.memory_space<vmem>> -> memref<128xi32, #tpu.memory_space<vmem>>
            %dma_start3A_322 = arith.constant 0 : i32
            %dma_start3A_323 = arith.constant 0 : i32
            %dma_start3A_324 = tpu.memref_slice %arg2[%dma_start3A_322, %dma_start3A_323] : memref<50000x64xf32, #tpu.memory_space<hbm>> -> memref<50000x64xf32, #tpu.memory_space<hbm>>
            tpu.enqueue_indirect_dma source(%dma_start3A_324 : memref<50000x64xf32, #tpu.memory_space<hbm>>) target(%dma_start3A_314 : memref<128x64xf32, #tpu.memory_space<vmem>>) offsets(%dma_start3A_321 : memref<128xi32, #tpu.memory_space<vmem>>) semaphore(%run_scoped3A_307 : memref<!tpu.dma_semaphore, #tpu.memory_space<semaphore_mem>>)
            %dma_wait3A = arith.constant 0 : i32
            %dma_wait3A_325 = arith.constant 0 : i32
            %dma_wait3A_326 = tpu.memref_slice %run_scoped3A_18[%rem3A_232, %dma_wait3A, %dma_wait3A_325] : memref<2x512x64xf32, #tpu.memory_space<vmem>> -> memref<1x512x64xf32, #tpu.memory_space<vmem>>
            %dma_wait3A_327 = tpu.memref_squeeze %dma_wait3A_326 : memref<1x512x64xf32, #tpu.memory_space<vmem>> -> memref<512x64xf32, #tpu.memory_space<vmem>>
            %dma_wait3A_328 = arith.constant 256 : i32
            %dma_wait3A_329 = arith.constant 0 : i32
            %dma_wait3A_330 = tpu.memref_slice %dma_wait3A_327[%dma_wait3A_328, %dma_wait3A_329] : memref<512x64xf32, #tpu.memory_space<vmem>> -> memref<128x64xf32, #tpu.memory_space<vmem>>
            %dma_wait3A_331 = arith.constant 0 : i32
            %dma_wait3A_332 = arith.constant 0 : i32
            %dma_wait3A_333 = tpu.memref_slice %run_scoped3A[%rem3A_230, %dma_wait3A_331, %dma_wait3A_332] : memref<2x4x128xi32, #tpu.memory_space<vmem>> -> memref<1x4x128xi32, #tpu.memory_space<vmem>>
            %dma_wait3A_334 = tpu.memref_squeeze %dma_wait3A_333 : memref<1x4x128xi32, #tpu.memory_space<vmem>> -> memref<4x128xi32, #tpu.memory_space<vmem>>
            %dma_wait3A_335 = arith.constant 0 : i32
            %dma_wait3A_336 = tpu.memref_slice %dma_wait3A_334[%run_scoped3A_235, %dma_wait3A_335] : memref<4x128xi32, #tpu.memory_space<vmem>> -> memref<1x128xi32, #tpu.memory_space<vmem>>
            %dma_wait3A_337 = tpu.memref_squeeze %dma_wait3A_336 : memref<1x128xi32, #tpu.memory_space<vmem>> -> memref<128xi32, #tpu.memory_space<vmem>>
            %dma_wait3A_338 = arith.constant 0 : i32
            %dma_wait3A_339 = arith.constant 0 : i32
            %dma_wait3A_340 = tpu.memref_slice %arg2[%dma_wait3A_338, %dma_wait3A_339] : memref<50000x64xf32, #tpu.memory_space<hbm>> -> memref<50000x64xf32, #tpu.memory_space<hbm>>
            tpu.wait_indirect_dma semaphore(%run_scoped3A_307 : memref<!tpu.dma_semaphore, #tpu.memory_space<semaphore_mem>>) src(%dma_wait3A_340 : memref<50000x64xf32, #tpu.memory_space<hbm>>) dst(%dma_wait3A_330 : memref<128x64xf32, #tpu.memory_space<vmem>>)
            tpu.yield
          }) : () -> ()
          %run_scoped3A_236 = arith.constant 3 : i32
          "tpu.region"() ({
            %run_scoped3A_307 = tpu.sem_alloc : memref<!tpu.dma_semaphore, #tpu.memory_space<semaphore_mem>>
            %dma_start3A_308 = arith.constant 0 : i32
            %dma_start3A_309 = arith.constant 0 : i32
            %dma_start3A_310 = tpu.memref_slice %run_scoped3A_18[%rem3A_232, %dma_start3A_308, %dma_start3A_309] : memref<2x512x64xf32, #tpu.memory_space<vmem>> -> memref<1x512x64xf32, #tpu.memory_space<vmem>>
            %dma_start3A_311 = tpu.memref_squeeze %dma_start3A_310 : memref<1x512x64xf32, #tpu.memory_space<vmem>> -> memref<512x64xf32, #tpu.memory_space<vmem>>
            %dma_start3A_312 = arith.constant 384 : i32
            %dma_start3A_313 = arith.constant 0 : i32
            %dma_start3A_314 = tpu.memref_slice %dma_start3A_311[%dma_start3A_312, %dma_start3A_313] : memref<512x64xf32, #tpu.memory_space<vmem>> -> memref<128x64xf32, #tpu.memory_space<vmem>>
            %dma_start3A_315 = arith.constant 0 : i32
            %dma_start3A_316 = arith.constant 0 : i32
            %dma_start3A_317 = tpu.memref_slice %run_scoped3A[%rem3A_230, %dma_start3A_315, %dma_start3A_316] : memref<2x4x128xi32, #tpu.memory_space<vmem>> -> memref<1x4x128xi32, #tpu.memory_space<vmem>>
            %dma_start3A_318 = tpu.memref_squeeze %dma_start3A_317 : memref<1x4x128xi32, #tpu.memory_space<vmem>> -> memref<4x128xi32, #tpu.memory_space<vmem>>
            %dma_start3A_319 = arith.constant 0 : i32
            %dma_start3A_320 = tpu.memref_slice %dma_start3A_318[%run_scoped3A_236, %dma_start3A_319] : memref<4x128xi32, #tpu.memory_space<vmem>> -> memref<1x128xi32, #tpu.memory_space<vmem>>
            %dma_start3A_321 = tpu.memref_squeeze %dma_start3A_320 : memref<1x128xi32, #tpu.memory_space<vmem>> -> memref<128xi32, #tpu.memory_space<vmem>>
            %dma_start3A_322 = arith.constant 0 : i32
            %dma_start3A_323 = arith.constant 0 : i32
            %dma_start3A_324 = tpu.memref_slice %arg2[%dma_start3A_322, %dma_start3A_323] : memref<50000x64xf32, #tpu.memory_space<hbm>> -> memref<50000x64xf32, #tpu.memory_space<hbm>>
            tpu.enqueue_indirect_dma source(%dma_start3A_324 : memref<50000x64xf32, #tpu.memory_space<hbm>>) target(%dma_start3A_314 : memref<128x64xf32, #tpu.memory_space<vmem>>) offsets(%dma_start3A_321 : memref<128xi32, #tpu.memory_space<vmem>>) semaphore(%run_scoped3A_307 : memref<!tpu.dma_semaphore, #tpu.memory_space<semaphore_mem>>)
            %dma_wait3A = arith.constant 0 : i32
            %dma_wait3A_325 = arith.constant 0 : i32
            %dma_wait3A_326 = tpu.memref_slice %run_scoped3A_18[%rem3A_232, %dma_wait3A, %dma_wait3A_325] : memref<2x512x64xf32, #tpu.memory_space<vmem>> -> memref<1x512x64xf32, #tpu.memory_space<vmem>>
            %dma_wait3A_327 = tpu.memref_squeeze %dma_wait3A_326 : memref<1x512x64xf32, #tpu.memory_space<vmem>> -> memref<512x64xf32, #tpu.memory_space<vmem>>
            %dma_wait3A_328 = arith.constant 384 : i32
            %dma_wait3A_329 = arith.constant 0 : i32
            %dma_wait3A_330 = tpu.memref_slice %dma_wait3A_327[%dma_wait3A_328, %dma_wait3A_329] : memref<512x64xf32, #tpu.memory_space<vmem>> -> memref<128x64xf32, #tpu.memory_space<vmem>>
            %dma_wait3A_331 = arith.constant 0 : i32
            %dma_wait3A_332 = arith.constant 0 : i32
            %dma_wait3A_333 = tpu.memref_slice %run_scoped3A[%rem3A_230, %dma_wait3A_331, %dma_wait3A_332] : memref<2x4x128xi32, #tpu.memory_space<vmem>> -> memref<1x4x128xi32, #tpu.memory_space<vmem>>
            %dma_wait3A_334 = tpu.memref_squeeze %dma_wait3A_333 : memref<1x4x128xi32, #tpu.memory_space<vmem>> -> memref<4x128xi32, #tpu.memory_space<vmem>>
            %dma_wait3A_335 = arith.constant 0 : i32
            %dma_wait3A_336 = tpu.memref_slice %dma_wait3A_334[%run_scoped3A_236, %dma_wait3A_335] : memref<4x128xi32, #tpu.memory_space<vmem>> -> memref<1x128xi32, #tpu.memory_space<vmem>>
            %dma_wait3A_337 = tpu.memref_squeeze %dma_wait3A_336 : memref<1x128xi32, #tpu.memory_space<vmem>> -> memref<128xi32, #tpu.memory_space<vmem>>
            %dma_wait3A_338 = arith.constant 0 : i32
            %dma_wait3A_339 = arith.constant 0 : i32
            %dma_wait3A_340 = tpu.memref_slice %arg2[%dma_wait3A_338, %dma_wait3A_339] : memref<50000x64xf32, #tpu.memory_space<hbm>> -> memref<50000x64xf32, #tpu.memory_space<hbm>>
            tpu.wait_indirect_dma semaphore(%run_scoped3A_307 : memref<!tpu.dma_semaphore, #tpu.memory_space<semaphore_mem>>) src(%dma_wait3A_340 : memref<50000x64xf32, #tpu.memory_space<hbm>>) dst(%dma_wait3A_330 : memref<128x64xf32, #tpu.memory_space<vmem>>)
            tpu.yield
          }) : () -> ()
          "tpu.trace_stop"() : () -> ()
          %ne3A_237 = arith.cmpi ne, %add3A_155, %add3A_173 : i32
          %or3A_238 = arith.constant false
          %or3A_239 = arith.ori %or3A_238, %ne3A_237 : i1
          %or3A_240 = arith.constant false
          %or3A_241 = arith.ori %or3A_239, %or3A_240 : i1
          %or3A_242 = arith.ori %or3A_241, %eq3A_154 : i1
          %convert_element_type3A_243 = arith.extui %or3A_242 : i1 to i32
          %cond3A_244 = arith.constant 0 : i32
          %cond3A_245 = arith.cmpi ne, %convert_element_type3A_243, %cond3A_244 : i32
          scf.if %cond3A_245 {
          } else {
          }
          %and3A_246 = arith.constant false
          %and3A_247 = arith.andi %or3A_242, %and3A_246 : i1
          %ne3A_248 = arith.cmpi ne, %add3A_155, %add3A_173 : i32
          %or3A_249 = arith.constant false
          %or3A_250 = arith.ori %or3A_249, %ne3A_248 : i1
          %or3A_251 = arith.constant false
          %or3A_252 = arith.ori %or3A_250, %or3A_251 : i1
          %or3A_253 = arith.ori %or3A_252, %eq3A_154 : i1
          %convert_element_type3A_254 = arith.extui %or3A_253 : i1 to i32
          %cond3A_255 = arith.constant 0 : i32
          %cond3A_256 = arith.cmpi ne, %convert_element_type3A_254, %cond3A_255 : i32
          scf.if %cond3A_256 {
            "tpu.trace_start"() <{level = 10 : i32, message = "ep_copy_out"}> : () -> ()
            %rem3A_307 = arith.constant 2 : i32
            %rem3A_308 = arith.remui %while3A_145, %rem3A_307 : i32
            %mul3A_309 = arith.constant 512 : i32
            %mul3A_310 = arith.muli %mul3A_309, %add3A_155 : i32
            %dma_start3A_311 = arith.constant 0 : i32
            %dma_start3A_312 = arith.constant 0 : i32
            %dma_start3A_313 = tpu.memref_slice %run_scoped3A_18[%rem3A_308, %dma_start3A_311, %dma_start3A_312] : memref<2x512x64xf32, #tpu.memory_space<vmem>> -> memref<1x512x64xf32, #tpu.memory_space<vmem>>
            %dma_start3A_314 = tpu.memref_squeeze %dma_start3A_313 : memref<1x512x64xf32, #tpu.memory_space<vmem>> -> memref<512x64xf32, #tpu.memory_space<vmem>>
            %dma_start3A_315 = arith.constant 0 : i32
            %dma_start3A_316 = tpu.memref_slice %arg4[%mul3A_310, %dma_start3A_315] : memref<450048x64xf32, #tpu.memory_space<hbm>> -> memref<512x64xf32, #tpu.memory_space<hbm>>
            %dma_start3A_317 = tpu.memref_slice %run_scoped3A_19[%rem3A_308] : memref<2x!tpu.dma_semaphore, #tpu.memory_space<semaphore_mem>> -> memref<1x!tpu.dma_semaphore, #tpu.memory_space<semaphore_mem>>
            %dma_start3A_318 = tpu.memref_squeeze %dma_start3A_317 : memref<1x!tpu.dma_semaphore, #tpu.memory_space<semaphore_mem>> -> memref<!tpu.dma_semaphore, #tpu.memory_space<semaphore_mem>>
            %dma_start3A_319 = arith.constant 0 : i32
            %dma_start3A_320 = tpu.memref_slice %arg4[%mul3A_310, %dma_start3A_319] : memref<450048x64xf32, #tpu.memory_space<hbm>> -> memref<512x64xf32, #tpu.memory_space<hbm>>
            %dma_start3A_321 = arith.constant 0 : i32
            %dma_start3A_322 = arith.constant 0 : i32
            %dma_start3A_323 = tpu.memref_slice %run_scoped3A_18[%rem3A_308, %dma_start3A_321, %dma_start3A_322] : memref<2x512x64xf32, #tpu.memory_space<vmem>> -> memref<1x512x64xf32, #tpu.memory_space<vmem>>
            %dma_start3A_324 = tpu.memref_squeeze %dma_start3A_323 : memref<1x512x64xf32, #tpu.memory_space<vmem>> -> memref<512x64xf32, #tpu.memory_space<vmem>>
            tpu.enqueue_dma source(%dma_start3A_324 : memref<512x64xf32, #tpu.memory_space<vmem>>) target(%dma_start3A_320 : memref<512x64xf32, #tpu.memory_space<hbm>>) target_semaphore(%dma_start3A_318 : memref<!tpu.dma_semaphore, #tpu.memory_space<semaphore_mem>>)
            "tpu.trace_stop"() : () -> ()
          } else {
          }
          %and3A_257 = arith.constant true
          %and3A_258 = arith.andi %or3A_253, %and3A_257 : i1
          %add3A_259 = arith.constant 1 : i32
          %add3A_260 = arith.addi %while3A_145, %add3A_259 : i32
          %select_n3A_261 = arith.select %and3A_258, %add3A_260, %while3A_145 : i32
          %ne3A_262 = arith.cmpi ne, %add3A_155, %add3A_165 : i32
          %or3A_263 = arith.constant false
          %or3A_264 = arith.ori %or3A_263, %ne3A_262 : i1
          %or3A_265 = arith.constant false
          %or3A_266 = arith.ori %or3A_264, %or3A_265 : i1
          %not3A_267 = arith.constant true
          %not3A_268 = arith.xori %eq3A_151, %not3A_267 : i1
          %and3A_269 = arith.andi %or3A_266, %not3A_268 : i1
          %convert_element_type3A_270 = arith.extui %and3A_269 : i1 to i32
          %cond3A_271 = arith.constant 0 : i32
          %cond3A_272 = arith.cmpi ne, %convert_element_type3A_270, %cond3A_271 : i32
          scf.if %cond3A_272 {
          } else {
          }
          %and3A_273 = arith.constant false
          %and3A_274 = arith.andi %and3A_269, %and3A_273 : i1
          %ne3A_275 = arith.cmpi ne, %add3A_155, %add3A_165 : i32
          %or3A_276 = arith.constant false
          %or3A_277 = arith.ori %or3A_276, %ne3A_275 : i1
          %or3A_278 = arith.constant false
          %or3A_279 = arith.ori %or3A_277, %or3A_278 : i1
          %not3A_280 = arith.constant true
          %not3A_281 = arith.xori %eq3A_151, %not3A_280 : i1
          %and3A_282 = arith.andi %or3A_279, %not3A_281 : i1
          %convert_element_type3A_283 = arith.extui %and3A_282 : i1 to i32
          %cond3A_284 = arith.constant 0 : i32
          %cond3A_285 = arith.cmpi ne, %convert_element_type3A_283, %cond3A_284 : i32
          scf.if %cond3A_285 {
            "tpu.trace_start"() <{level = 10 : i32, message = "ep_wait_out"}> : () -> ()
            %rem3A_307 = arith.constant 2 : i32
            %rem3A_308 = arith.remui %while3A_146, %rem3A_307 : i32
            %mul3A_309 = arith.constant 512 : i32
            %mul3A_310 = arith.muli %mul3A_309, %add3A_165 : i32
            %dma_wait3A = arith.constant 0 : i32
            %dma_wait3A_311 = arith.constant 0 : i32
            %dma_wait3A_312 = tpu.memref_slice %run_scoped3A_18[%rem3A_308, %dma_wait3A, %dma_wait3A_311] : memref<2x512x64xf32, #tpu.memory_space<vmem>> -> memref<1x512x64xf32, #tpu.memory_space<vmem>>
            %dma_wait3A_313 = tpu.memref_squeeze %dma_wait3A_312 : memref<1x512x64xf32, #tpu.memory_space<vmem>> -> memref<512x64xf32, #tpu.memory_space<vmem>>
            %dma_wait3A_314 = arith.constant 0 : i32
            %dma_wait3A_315 = tpu.memref_slice %arg4[%mul3A_310, %dma_wait3A_314] : memref<450048x64xf32, #tpu.memory_space<hbm>> -> memref<512x64xf32, #tpu.memory_space<hbm>>
            %dma_wait3A_316 = tpu.memref_slice %run_scoped3A_19[%rem3A_308] : memref<2x!tpu.dma_semaphore, #tpu.memory_space<semaphore_mem>> -> memref<1x!tpu.dma_semaphore, #tpu.memory_space<semaphore_mem>>
            %dma_wait3A_317 = tpu.memref_squeeze %dma_wait3A_316 : memref<1x!tpu.dma_semaphore, #tpu.memory_space<semaphore_mem>> -> memref<!tpu.dma_semaphore, #tpu.memory_space<semaphore_mem>>
            %dma_wait3A_318 = arith.constant 0 : i32
            %dma_wait3A_319 = tpu.memref_slice %arg4[%mul3A_310, %dma_wait3A_318] : memref<450048x64xf32, #tpu.memory_space<hbm>> -> memref<512x64xf32, #tpu.memory_space<hbm>>
            %dma_wait3A_320 = arith.constant 0 : i32
            %dma_wait3A_321 = arith.constant 0 : i32
            %dma_wait3A_322 = tpu.memref_slice %run_scoped3A_18[%rem3A_308, %dma_wait3A_320, %dma_wait3A_321] : memref<2x512x64xf32, #tpu.memory_space<vmem>> -> memref<1x512x64xf32, #tpu.memory_space<vmem>>
            %dma_wait3A_323 = tpu.memref_squeeze %dma_wait3A_322 : memref<1x512x64xf32, #tpu.memory_space<vmem>> -> memref<512x64xf32, #tpu.memory_space<vmem>>
            tpu.wait_dma2 semaphore(%dma_wait3A_317 : memref<!tpu.dma_semaphore, #tpu.memory_space<semaphore_mem>>) src(%dma_wait3A_323 : memref<512x64xf32, #tpu.memory_space<vmem>>) dst(%dma_wait3A_319 : memref<512x64xf32, #tpu.memory_space<hbm>>)
            "tpu.trace_stop"() : () -> ()
          } else {
          }
          %and3A_286 = arith.constant true
          %and3A_287 = arith.andi %and3A_282, %and3A_286 : i1
          %add3A_288 = arith.constant 1 : i32
          %add3A_289 = arith.addi %while3A_146, %add3A_288 : i32
          %select_n3A_290 = arith.select %and3A_287, %add3A_289, %while3A_146 : i32
          %ne3A_291 = arith.cmpi ne, %add3A_155, %add3A_173 : i32
          %or3A_292 = arith.constant false
          %or3A_293 = arith.ori %or3A_292, %ne3A_291 : i1
          %or3A_294 = arith.constant false
          %or3A_295 = arith.ori %or3A_293, %or3A_294 : i1
          %or3A_296 = arith.ori %or3A_295, %eq3A_154 : i1
          %add3A_297 = arith.constant 1 : i32
          %add3A_298 = arith.addi %while3A_144, %add3A_297 : i32
          %select_n3A_299 = arith.select %or3A_296, %add3A_298, %while3A_144 : i32
          %add3A_300 = arith.constant 1 : i32
          %add3A_301 = arith.addi %while3A_147, %add3A_300 : i32
          %select_n3A_302 = arith.constant true
          %select_n3A_303 = arith.select %select_n3A_302, %add3A_301, %while3A_147 : i32
          %eq3A_304 = arith.cmpi eq, %select_n3A_303, %select_n3A : i32
          %select_n3A_305 = arith.constant 0 : i32
          %select_n3A_306 = arith.select %eq3A_304, %select_n3A_305, %select_n3A_303 : i32
          scf.yield %select_n3A_197, %select_n3A_299, %select_n3A_261, %select_n3A_290, %select_n3A_306 : i32, i32, i32, i32, i32
        }
        %while3A_89 = arith.constant 1 : i32
        %while3A_90:5 = scf.for %while3A_142 = %while3A_86 to %while3A_82 step %while3A_89 iter_args(%while3A_143 = %while3A_88#0, %while3A_144 = %while3A_88#1, %while3A_145 = %while3A_88#2, %while3A_146 = %while3A_88#3, %while3A_147 = %while3A_88#4) -> (i32, i32, i32, i32, i32)  : i32 {
          %mul3A_148 = arith.constant 1 : i32
          %mul3A_149 = arith.muli %mul3A_148, %select_n3A : i32
          %eq3A_150 = arith.constant 0 : i32
          %eq3A_151 = arith.cmpi eq, %while3A_142, %eq3A_150 : i32
          %sub3A_152 = arith.constant 1 : i32
          %sub3A_153 = arith.subi %mul3A_149, %sub3A_152 : i32
          %eq3A_154 = arith.cmpi eq, %while3A_142, %sub3A_153 : i32
          %add3A_155 = arith.addi %while3A_147, %select_n3A_14 : i32
          %sub3A_156 = arith.constant 1 : i32
          %sub3A_157 = arith.subi %while3A_147, %sub3A_156 : i32
          %select_n3A_158 = arith.constant true
          %select_n3A_159 = arith.select %select_n3A_158, %sub3A_157, %while3A_147 : i32
          %eq3A_160 = arith.constant -1 : i32
          %eq3A_161 = arith.cmpi eq, %select_n3A_159, %eq3A_160 : i32
          %sub3A_162 = arith.constant 1 : i32
          %sub3A_163 = arith.subi %select_n3A, %sub3A_162 : i32
          %select_n3A_164 = arith.select %eq3A_161, %sub3A_163, %select_n3A_159 : i32
          %add3A_165 = arith.addi %select_n3A_164, %select_n3A_14 : i32
          %add3A_166 = arith.constant 1 : i32
          %add3A_167 = arith.addi %while3A_147, %add3A_166 : i32
          %select_n3A_168 = arith.constant true
          %select_n3A_169 = arith.select %select_n3A_168, %add3A_167, %while3A_147 : i32
          %eq3A_170 = arith.cmpi eq, %select_n3A_169, %select_n3A : i32
          %select_n3A_171 = arith.constant 0 : i32
          %select_n3A_172 = arith.select %eq3A_170, %select_n3A_171, %select_n3A_169 : i32
          %add3A_173 = arith.addi %select_n3A_172, %select_n3A_14 : i32
          %add3A_174 = arith.constant 1 : i32
          %add3A_175 = arith.addi %select_n3A_172, %add3A_174 : i32
          %select_n3A_176 = arith.constant true
          %select_n3A_177 = arith.select %select_n3A_176, %add3A_175, %select_n3A_172 : i32
          %eq3A_178 = arith.cmpi eq, %select_n3A_177, %select_n3A : i32
          %select_n3A_179 = arith.constant 0 : i32
          %select_n3A_180 = arith.select %eq3A_178, %select_n3A_179, %select_n3A_177 : i32
          %add3A_181 = arith.addi %select_n3A_180, %select_n3A_14 : i32
          %ne3A = arith.cmpi ne, %add3A_155, %add3A_173 : i32
          %or3A = arith.constant false
          %or3A_182 = arith.ori %or3A, %ne3A : i1
          %or3A_183 = arith.constant false
          %or3A_184 = arith.ori %or3A_182, %or3A_183 : i1
          %sub3A_185 = arith.constant 2 : i32
          %sub3A_186 = arith.subi %mul3A_149, %sub3A_185 : i32
          %add3A_187 = arith.constant 1 : i32
          %add3A_188 = arith.addi %sub3A_186, %add3A_187 : i32
          %ge3A = arith.cmpi sge, %while3A_142, %add3A_188 : i32
          %not3A = arith.constant true
          %not3A_189 = arith.xori %ge3A, %not3A : i1
          %and3A = arith.andi %or3A_184, %not3A_189 : i1
          %convert_element_type3A_190 = arith.extui %and3A : i1 to i32
          %cond3A_191 = arith.constant 0 : i32
          %cond3A_192 = arith.cmpi ne, %convert_element_type3A_190, %cond3A_191 : i32
          scf.if %cond3A_192 {
            "tpu.trace_start"() <{level = 10 : i32, message = "ep_copy_in"}> : () -> ()
            %rem3A_307 = arith.constant 2 : i32
            %rem3A_308 = arith.remui %while3A_143, %rem3A_307 : i32
            %mul3A_309 = arith.constant 4 : i32
            %mul3A_310 = arith.muli %mul3A_309, %add3A_173 : i32
            %dma_start3A_311 = arith.constant 0 : i32
            %dma_start3A_312 = arith.constant 0 : i32
            %dma_start3A_313 = tpu.memref_slice %run_scoped3A[%rem3A_308, %dma_start3A_311, %dma_start3A_312] : memref<2x4x128xi32, #tpu.memory_space<vmem>> -> memref<1x4x128xi32, #tpu.memory_space<vmem>>
            %dma_start3A_314 = tpu.memref_squeeze %dma_start3A_313 : memref<1x4x128xi32, #tpu.memory_space<vmem>> -> memref<4x128xi32, #tpu.memory_space<vmem>>
            %dma_start3A_315 = arith.constant 0 : i32
            %dma_start3A_316 = tpu.memref_slice %arg3[%mul3A_310, %dma_start3A_315] : memref<3516x128xi32, #tpu.memory_space<hbm>> -> memref<4x128xi32, #tpu.memory_space<hbm>>
            %dma_start3A_317 = tpu.memref_slice %run_scoped3A_17[%rem3A_308] : memref<2x!tpu.dma_semaphore, #tpu.memory_space<semaphore_mem>> -> memref<1x!tpu.dma_semaphore, #tpu.memory_space<semaphore_mem>>
            %dma_start3A_318 = tpu.memref_squeeze %dma_start3A_317 : memref<1x!tpu.dma_semaphore, #tpu.memory_space<semaphore_mem>> -> memref<!tpu.dma_semaphore, #tpu.memory_space<semaphore_mem>>
            %dma_start3A_319 = arith.constant 0 : i32
            %dma_start3A_320 = arith.constant 0 : i32
            %dma_start3A_321 = tpu.memref_slice %run_scoped3A[%rem3A_308, %dma_start3A_319, %dma_start3A_320] : memref<2x4x128xi32, #tpu.memory_space<vmem>> -> memref<1x4x128xi32, #tpu.memory_space<vmem>>
            %dma_start3A_322 = tpu.memref_squeeze %dma_start3A_321 : memref<1x4x128xi32, #tpu.memory_space<vmem>> -> memref<4x128xi32, #tpu.memory_space<vmem>>
            %dma_start3A_323 = arith.constant 0 : i32
            %dma_start3A_324 = tpu.memref_slice %arg3[%mul3A_310, %dma_start3A_323] : memref<3516x128xi32, #tpu.memory_space<hbm>> -> memref<4x128xi32, #tpu.memory_space<hbm>>
            tpu.enqueue_dma source(%dma_start3A_324 : memref<4x128xi32, #tpu.memory_space<hbm>>) target(%dma_start3A_322 : memref<4x128xi32, #tpu.memory_space<vmem>>) target_semaphore(%dma_start3A_318 : memref<!tpu.dma_semaphore, #tpu.memory_space<semaphore_mem>>)
            "tpu.trace_stop"() : () -> ()
          } else {
          }
          %and3A_193 = arith.constant true
          %and3A_194 = arith.andi %and3A, %and3A_193 : i1
          %add3A_195 = arith.constant 1 : i32
          %add3A_196 = arith.addi %while3A_143, %add3A_195 : i32
          %select_n3A_197 = arith.select %and3A_194, %add3A_196, %while3A_143 : i32
          %ne3A_198 = arith.cmpi ne, %add3A_155, %add3A_173 : i32
          %or3A_199 = arith.constant false
          %or3A_200 = arith.ori %or3A_199, %ne3A_198 : i1
          %or3A_201 = arith.constant false
          %or3A_202 = arith.ori %or3A_200, %or3A_201 : i1
          %sub3A_203 = arith.constant 2 : i32
          %sub3A_204 = arith.subi %mul3A_149, %sub3A_203 : i32
          %add3A_205 = arith.constant 1 : i32
          %add3A_206 = arith.addi %sub3A_204, %add3A_205 : i32
          %ge3A_207 = arith.cmpi sge, %while3A_142, %add3A_206 : i32
          %not3A_208 = arith.constant true
          %not3A_209 = arith.xori %ge3A_207, %not3A_208 : i1
          %and3A_210 = arith.andi %or3A_202, %not3A_209 : i1
          %ne3A_211 = arith.cmpi ne, %add3A_155, %add3A_165 : i32
          %or3A_212 = arith.constant false
          %or3A_213 = arith.ori %or3A_212, %ne3A_211 : i1
          %or3A_214 = arith.constant false
          %or3A_215 = arith.ori %or3A_213, %or3A_214 : i1
          %or3A_216 = arith.ori %or3A_215, %eq3A_151 : i1
          %convert_element_type3A_217 = arith.extui %or3A_216 : i1 to i32
          %cond3A_218 = arith.constant 0 : i32
          %cond3A_219 = arith.cmpi ne, %convert_element_type3A_217, %cond3A_218 : i32
          scf.if %cond3A_219 {
            "tpu.trace_start"() <{level = 10 : i32, message = "ep_wait_in"}> : () -> ()
            %mul3A_307 = arith.constant 4 : i32
            %mul3A_308 = arith.muli %mul3A_307, %add3A_155 : i32
            %rem3A_309 = arith.constant 2 : i32
            %rem3A_310 = arith.remui %while3A_144, %rem3A_309 : i32
            %dma_wait3A = arith.constant 0 : i32
            %dma_wait3A_311 = arith.constant 0 : i32
            %dma_wait3A_312 = tpu.memref_slice %run_scoped3A[%rem3A_310, %dma_wait3A, %dma_wait3A_311] : memref<2x4x128xi32, #tpu.memory_space<vmem>> -> memref<1x4x128xi32, #tpu.memory_space<vmem>>
            %dma_wait3A_313 = tpu.memref_squeeze %dma_wait3A_312 : memref<1x4x128xi32, #tpu.memory_space<vmem>> -> memref<4x128xi32, #tpu.memory_space<vmem>>
            %dma_wait3A_314 = arith.constant 0 : i32
            %dma_wait3A_315 = tpu.memref_slice %arg3[%mul3A_308, %dma_wait3A_314] : memref<3516x128xi32, #tpu.memory_space<hbm>> -> memref<4x128xi32, #tpu.memory_space<hbm>>
            %dma_wait3A_316 = tpu.memref_slice %run_scoped3A_17[%rem3A_310] : memref<2x!tpu.dma_semaphore, #tpu.memory_space<semaphore_mem>> -> memref<1x!tpu.dma_semaphore, #tpu.memory_space<semaphore_mem>>
            %dma_wait3A_317 = tpu.memref_squeeze %dma_wait3A_316 : memref<1x!tpu.dma_semaphore, #tpu.memory_space<semaphore_mem>> -> memref<!tpu.dma_semaphore, #tpu.memory_space<semaphore_mem>>
            %dma_wait3A_318 = arith.constant 0 : i32
            %dma_wait3A_319 = arith.constant 0 : i32
            %dma_wait3A_320 = tpu.memref_slice %run_scoped3A[%rem3A_310, %dma_wait3A_318, %dma_wait3A_319] : memref<2x4x128xi32, #tpu.memory_space<vmem>> -> memref<1x4x128xi32, #tpu.memory_space<vmem>>
            %dma_wait3A_321 = tpu.memref_squeeze %dma_wait3A_320 : memref<1x4x128xi32, #tpu.memory_space<vmem>> -> memref<4x128xi32, #tpu.memory_space<vmem>>
            %dma_wait3A_322 = arith.constant 0 : i32
            %dma_wait3A_323 = tpu.memref_slice %arg3[%mul3A_308, %dma_wait3A_322] : memref<3516x128xi32, #tpu.memory_space<hbm>> -> memref<4x128xi32, #tpu.memory_space<hbm>>
            tpu.wait_dma2 semaphore(%dma_wait3A_317 : memref<!tpu.dma_semaphore, #tpu.memory_space<semaphore_mem>>) src(%dma_wait3A_323 : memref<4x128xi32, #tpu.memory_space<hbm>>) dst(%dma_wait3A_321 : memref<4x128xi32, #tpu.memory_space<vmem>>)
            "tpu.trace_stop"() : () -> ()
          } else {
          }
          %ne3A_220 = arith.cmpi ne, %add3A_155, %add3A_165 : i32
          %or3A_221 = arith.constant false
          %or3A_222 = arith.ori %or3A_221, %ne3A_220 : i1
          %or3A_223 = arith.constant false
          %or3A_224 = arith.ori %or3A_222, %or3A_223 : i1
          %or3A_225 = arith.ori %or3A_224, %eq3A_151 : i1
          %convert_element_type3A_226 = arith.extui %or3A_225 : i1 to i32
          %cond3A_227 = arith.constant 0 : i32
          %cond3A_228 = arith.cmpi ne, %convert_element_type3A_226, %cond3A_227 : i32
          scf.if %cond3A_228 {
          } else {
          }
          %rem3A_229 = arith.constant 2 : i32
          %rem3A_230 = arith.remui %while3A_144, %rem3A_229 : i32
          %rem3A_231 = arith.constant 2 : i32
          %rem3A_232 = arith.remui %while3A_145, %rem3A_231 : i32
          %run_scoped3A_233 = arith.constant 0 : i32
          "tpu.trace_start"() <{level = 10 : i32, message = "ep_run_kernel"}> : () -> ()
          "tpu.region"() ({
            %run_scoped3A_307 = tpu.sem_alloc : memref<!tpu.dma_semaphore, #tpu.memory_space<semaphore_mem>>
            %dma_start3A_308 = arith.constant 0 : i32
            %dma_start3A_309 = arith.constant 0 : i32
            %dma_start3A_310 = tpu.memref_slice %run_scoped3A_18[%rem3A_232, %dma_start3A_308, %dma_start3A_309] : memref<2x512x64xf32, #tpu.memory_space<vmem>> -> memref<1x512x64xf32, #tpu.memory_space<vmem>>
            %dma_start3A_311 = tpu.memref_squeeze %dma_start3A_310 : memref<1x512x64xf32, #tpu.memory_space<vmem>> -> memref<512x64xf32, #tpu.memory_space<vmem>>
            %dma_start3A_312 = arith.constant 0 : i32
            %dma_start3A_313 = arith.constant 0 : i32
            %dma_start3A_314 = tpu.memref_slice %dma_start3A_311[%dma_start3A_312, %dma_start3A_313] : memref<512x64xf32, #tpu.memory_space<vmem>> -> memref<128x64xf32, #tpu.memory_space<vmem>>
            %dma_start3A_315 = arith.constant 0 : i32
            %dma_start3A_316 = arith.constant 0 : i32
            %dma_start3A_317 = tpu.memref_slice %run_scoped3A[%rem3A_230, %dma_start3A_315, %dma_start3A_316] : memref<2x4x128xi32, #tpu.memory_space<vmem>> -> memref<1x4x128xi32, #tpu.memory_space<vmem>>
            %dma_start3A_318 = tpu.memref_squeeze %dma_start3A_317 : memref<1x4x128xi32, #tpu.memory_space<vmem>> -> memref<4x128xi32, #tpu.memory_space<vmem>>
            %dma_start3A_319 = arith.constant 0 : i32
            %dma_start3A_320 = tpu.memref_slice %dma_start3A_318[%run_scoped3A_233, %dma_start3A_319] : memref<4x128xi32, #tpu.memory_space<vmem>> -> memref<1x128xi32, #tpu.memory_space<vmem>>
            %dma_start3A_321 = tpu.memref_squeeze %dma_start3A_320 : memref<1x128xi32, #tpu.memory_space<vmem>> -> memref<128xi32, #tpu.memory_space<vmem>>
            %dma_start3A_322 = arith.constant 0 : i32
            %dma_start3A_323 = arith.constant 0 : i32
            %dma_start3A_324 = tpu.memref_slice %arg2[%dma_start3A_322, %dma_start3A_323] : memref<50000x64xf32, #tpu.memory_space<hbm>> -> memref<50000x64xf32, #tpu.memory_space<hbm>>
            tpu.enqueue_indirect_dma source(%dma_start3A_324 : memref<50000x64xf32, #tpu.memory_space<hbm>>) target(%dma_start3A_314 : memref<128x64xf32, #tpu.memory_space<vmem>>) offsets(%dma_start3A_321 : memref<128xi32, #tpu.memory_space<vmem>>) semaphore(%run_scoped3A_307 : memref<!tpu.dma_semaphore, #tpu.memory_space<semaphore_mem>>)
            %dma_wait3A = arith.constant 0 : i32
            %dma_wait3A_325 = arith.constant 0 : i32
            %dma_wait3A_326 = tpu.memref_slice %run_scoped3A_18[%rem3A_232, %dma_wait3A, %dma_wait3A_325] : memref<2x512x64xf32, #tpu.memory_space<vmem>> -> memref<1x512x64xf32, #tpu.memory_space<vmem>>
            %dma_wait3A_327 = tpu.memref_squeeze %dma_wait3A_326 : memref<1x512x64xf32, #tpu.memory_space<vmem>> -> memref<512x64xf32, #tpu.memory_space<vmem>>
            %dma_wait3A_328 = arith.constant 0 : i32
            %dma_wait3A_329 = arith.constant 0 : i32
            %dma_wait3A_330 = tpu.memref_slice %dma_wait3A_327[%dma_wait3A_328, %dma_wait3A_329] : memref<512x64xf32, #tpu.memory_space<vmem>> -> memref<128x64xf32, #tpu.memory_space<vmem>>
            %dma_wait3A_331 = arith.constant 0 : i32
            %dma_wait3A_332 = arith.constant 0 : i32
            %dma_wait3A_333 = tpu.memref_slice %run_scoped3A[%rem3A_230, %dma_wait3A_331, %dma_wait3A_332] : memref<2x4x128xi32, #tpu.memory_space<vmem>> -> memref<1x4x128xi32, #tpu.memory_space<vmem>>
            %dma_wait3A_334 = tpu.memref_squeeze %dma_wait3A_333 : memref<1x4x128xi32, #tpu.memory_space<vmem>> -> memref<4x128xi32, #tpu.memory_space<vmem>>
            %dma_wait3A_335 = arith.constant 0 : i32
            %dma_wait3A_336 = tpu.memref_slice %dma_wait3A_334[%run_scoped3A_233, %dma_wait3A_335] : memref<4x128xi32, #tpu.memory_space<vmem>> -> memref<1x128xi32, #tpu.memory_space<vmem>>
            %dma_wait3A_337 = tpu.memref_squeeze %dma_wait3A_336 : memref<1x128xi32, #tpu.memory_space<vmem>> -> memref<128xi32, #tpu.memory_space<vmem>>
            %dma_wait3A_338 = arith.constant 0 : i32
            %dma_wait3A_339 = arith.constant 0 : i32
            %dma_wait3A_340 = tpu.memref_slice %arg2[%dma_wait3A_338, %dma_wait3A_339] : memref<50000x64xf32, #tpu.memory_space<hbm>> -> memref<50000x64xf32, #tpu.memory_space<hbm>>
            tpu.wait_indirect_dma semaphore(%run_scoped3A_307 : memref<!tpu.dma_semaphore, #tpu.memory_space<semaphore_mem>>) src(%dma_wait3A_340 : memref<50000x64xf32, #tpu.memory_space<hbm>>) dst(%dma_wait3A_330 : memref<128x64xf32, #tpu.memory_space<vmem>>)
            tpu.yield
          }) : () -> ()
          %run_scoped3A_234 = arith.constant 1 : i32
          "tpu.region"() ({
            %run_scoped3A_307 = tpu.sem_alloc : memref<!tpu.dma_semaphore, #tpu.memory_space<semaphore_mem>>
            %dma_start3A_308 = arith.constant 0 : i32
            %dma_start3A_309 = arith.constant 0 : i32
            %dma_start3A_310 = tpu.memref_slice %run_scoped3A_18[%rem3A_232, %dma_start3A_308, %dma_start3A_309] : memref<2x512x64xf32, #tpu.memory_space<vmem>> -> memref<1x512x64xf32, #tpu.memory_space<vmem>>
            %dma_start3A_311 = tpu.memref_squeeze %dma_start3A_310 : memref<1x512x64xf32, #tpu.memory_space<vmem>> -> memref<512x64xf32, #tpu.memory_space<vmem>>
            %dma_start3A_312 = arith.constant 128 : i32
            %dma_start3A_313 = arith.constant 0 : i32
            %dma_start3A_314 = tpu.memref_slice %dma_start3A_311[%dma_start3A_312, %dma_start3A_313] : memref<512x64xf32, #tpu.memory_space<vmem>> -> memref<128x64xf32, #tpu.memory_space<vmem>>
            %dma_start3A_315 = arith.constant 0 : i32
            %dma_start3A_316 = arith.constant 0 : i32
            %dma_start3A_317 = tpu.memref_slice %run_scoped3A[%rem3A_230, %dma_start3A_315, %dma_start3A_316] : memref<2x4x128xi32, #tpu.memory_space<vmem>> -> memref<1x4x128xi32, #tpu.memory_space<vmem>>
            %dma_start3A_318 = tpu.memref_squeeze %dma_start3A_317 : memref<1x4x128xi32, #tpu.memory_space<vmem>> -> memref<4x128xi32, #tpu.memory_space<vmem>>
            %dma_start3A_319 = arith.constant 0 : i32
            %dma_start3A_320 = tpu.memref_slice %dma_start3A_318[%run_scoped3A_234, %dma_start3A_319] : memref<4x128xi32, #tpu.memory_space<vmem>> -> memref<1x128xi32, #tpu.memory_space<vmem>>
            %dma_start3A_321 = tpu.memref_squeeze %dma_start3A_320 : memref<1x128xi32, #tpu.memory_space<vmem>> -> memref<128xi32, #tpu.memory_space<vmem>>
            %dma_start3A_322 = arith.constant 0 : i32
            %dma_start3A_323 = arith.constant 0 : i32
            %dma_start3A_324 = tpu.memref_slice %arg2[%dma_start3A_322, %dma_start3A_323] : memref<50000x64xf32, #tpu.memory_space<hbm>> -> memref<50000x64xf32, #tpu.memory_space<hbm>>
            tpu.enqueue_indirect_dma source(%dma_start3A_324 : memref<50000x64xf32, #tpu.memory_space<hbm>>) target(%dma_start3A_314 : memref<128x64xf32, #tpu.memory_space<vmem>>) offsets(%dma_start3A_321 : memref<128xi32, #tpu.memory_space<vmem>>) semaphore(%run_scoped3A_307 : memref<!tpu.dma_semaphore, #tpu.memory_space<semaphore_mem>>)
            %dma_wait3A = arith.constant 0 : i32
            %dma_wait3A_325 = arith.constant 0 : i32
            %dma_wait3A_326 = tpu.memref_slice %run_scoped3A_18[%rem3A_232, %dma_wait3A, %dma_wait3A_325] : memref<2x512x64xf32, #tpu.memory_space<vmem>> -> memref<1x512x64xf32, #tpu.memory_space<vmem>>
            %dma_wait3A_327 = tpu.memref_squeeze %dma_wait3A_326 : memref<1x512x64xf32, #tpu.memory_space<vmem>> -> memref<512x64xf32, #tpu.memory_space<vmem>>
            %dma_wait3A_328 = arith.constant 128 : i32
            %dma_wait3A_329 = arith.constant 0 : i32
            %dma_wait3A_330 = tpu.memref_slice %dma_wait3A_327[%dma_wait3A_328, %dma_wait3A_329] : memref<512x64xf32, #tpu.memory_space<vmem>> -> memref<128x64xf32, #tpu.memory_space<vmem>>
            %dma_wait3A_331 = arith.constant 0 : i32
            %dma_wait3A_332 = arith.constant 0 : i32
            %dma_wait3A_333 = tpu.memref_slice %run_scoped3A[%rem3A_230, %dma_wait3A_331, %dma_wait3A_332] : memref<2x4x128xi32, #tpu.memory_space<vmem>> -> memref<1x4x128xi32, #tpu.memory_space<vmem>>
            %dma_wait3A_334 = tpu.memref_squeeze %dma_wait3A_333 : memref<1x4x128xi32, #tpu.memory_space<vmem>> -> memref<4x128xi32, #tpu.memory_space<vmem>>
            %dma_wait3A_335 = arith.constant 0 : i32
            %dma_wait3A_336 = tpu.memref_slice %dma_wait3A_334[%run_scoped3A_234, %dma_wait3A_335] : memref<4x128xi32, #tpu.memory_space<vmem>> -> memref<1x128xi32, #tpu.memory_space<vmem>>
            %dma_wait3A_337 = tpu.memref_squeeze %dma_wait3A_336 : memref<1x128xi32, #tpu.memory_space<vmem>> -> memref<128xi32, #tpu.memory_space<vmem>>
            %dma_wait3A_338 = arith.constant 0 : i32
            %dma_wait3A_339 = arith.constant 0 : i32
            %dma_wait3A_340 = tpu.memref_slice %arg2[%dma_wait3A_338, %dma_wait3A_339] : memref<50000x64xf32, #tpu.memory_space<hbm>> -> memref<50000x64xf32, #tpu.memory_space<hbm>>
            tpu.wait_indirect_dma semaphore(%run_scoped3A_307 : memref<!tpu.dma_semaphore, #tpu.memory_space<semaphore_mem>>) src(%dma_wait3A_340 : memref<50000x64xf32, #tpu.memory_space<hbm>>) dst(%dma_wait3A_330 : memref<128x64xf32, #tpu.memory_space<vmem>>)
            tpu.yield
          }) : () -> ()
          %run_scoped3A_235 = arith.constant 2 : i32
          "tpu.region"() ({
            %run_scoped3A_307 = tpu.sem_alloc : memref<!tpu.dma_semaphore, #tpu.memory_space<semaphore_mem>>
            %dma_start3A_308 = arith.constant 0 : i32
            %dma_start3A_309 = arith.constant 0 : i32
            %dma_start3A_310 = tpu.memref_slice %run_scoped3A_18[%rem3A_232, %dma_start3A_308, %dma_start3A_309] : memref<2x512x64xf32, #tpu.memory_space<vmem>> -> memref<1x512x64xf32, #tpu.memory_space<vmem>>
            %dma_start3A_311 = tpu.memref_squeeze %dma_start3A_310 : memref<1x512x64xf32, #tpu.memory_space<vmem>> -> memref<512x64xf32, #tpu.memory_space<vmem>>
            %dma_start3A_312 = arith.constant 256 : i32
            %dma_start3A_313 = arith.constant 0 : i32
            %dma_start3A_314 = tpu.memref_slice %dma_start3A_311[%dma_start3A_312, %dma_start3A_313] : memref<512x64xf32, #tpu.memory_space<vmem>> -> memref<128x64xf32, #tpu.memory_space<vmem>>
            %dma_start3A_315 = arith.constant 0 : i32
            %dma_start3A_316 = arith.constant 0 : i32
            %dma_start3A_317 = tpu.memref_slice %run_scoped3A[%rem3A_230, %dma_start3A_315, %dma_start3A_316] : memref<2x4x128xi32, #tpu.memory_space<vmem>> -> memref<1x4x128xi32, #tpu.memory_space<vmem>>
            %dma_start3A_318 = tpu.memref_squeeze %dma_start3A_317 : memref<1x4x128xi32, #tpu.memory_space<vmem>> -> memref<4x128xi32, #tpu.memory_space<vmem>>
            %dma_start3A_319 = arith.constant 0 : i32
            %dma_start3A_320 = tpu.memref_slice %dma_start3A_318[%run_scoped3A_235, %dma_start3A_319] : memref<4x128xi32, #tpu.memory_space<vmem>> -> memref<1x128xi32, #tpu.memory_space<vmem>>
            %dma_start3A_321 = tpu.memref_squeeze %dma_start3A_320 : memref<1x128xi32, #tpu.memory_space<vmem>> -> memref<128xi32, #tpu.memory_space<vmem>>
            %dma_start3A_322 = arith.constant 0 : i32
            %dma_start3A_323 = arith.constant 0 : i32
            %dma_start3A_324 = tpu.memref_slice %arg2[%dma_start3A_322, %dma_start3A_323] : memref<50000x64xf32, #tpu.memory_space<hbm>> -> memref<50000x64xf32, #tpu.memory_space<hbm>>
            tpu.enqueue_indirect_dma source(%dma_start3A_324 : memref<50000x64xf32, #tpu.memory_space<hbm>>) target(%dma_start3A_314 : memref<128x64xf32, #tpu.memory_space<vmem>>) offsets(%dma_start3A_321 : memref<128xi32, #tpu.memory_space<vmem>>) semaphore(%run_scoped3A_307 : memref<!tpu.dma_semaphore, #tpu.memory_space<semaphore_mem>>)
            %dma_wait3A = arith.constant 0 : i32
            %dma_wait3A_325 = arith.constant 0 : i32
            %dma_wait3A_326 = tpu.memref_slice %run_scoped3A_18[%rem3A_232, %dma_wait3A, %dma_wait3A_325] : memref<2x512x64xf32, #tpu.memory_space<vmem>> -> memref<1x512x64xf32, #tpu.memory_space<vmem>>
            %dma_wait3A_327 = tpu.memref_squeeze %dma_wait3A_326 : memref<1x512x64xf32, #tpu.memory_space<vmem>> -> memref<512x64xf32, #tpu.memory_space<vmem>>
            %dma_wait3A_328 = arith.constant 256 : i32
            %dma_wait3A_329 = arith.constant 0 : i32
            %dma_wait3A_330 = tpu.memref_slice %dma_wait3A_327[%dma_wait3A_328, %dma_wait3A_329] : memref<512x64xf32, #tpu.memory_space<vmem>> -> memref<128x64xf32, #tpu.memory_space<vmem>>
            %dma_wait3A_331 = arith.constant 0 : i32
            %dma_wait3A_332 = arith.constant 0 : i32
            %dma_wait3A_333 = tpu.memref_slice %run_scoped3A[%rem3A_230, %dma_wait3A_331, %dma_wait3A_332] : memref<2x4x128xi32, #tpu.memory_space<vmem>> -> memref<1x4x128xi32, #tpu.memory_space<vmem>>
            %dma_wait3A_334 = tpu.memref_squeeze %dma_wait3A_333 : memref<1x4x128xi32, #tpu.memory_space<vmem>> -> memref<4x128xi32, #tpu.memory_space<vmem>>
            %dma_wait3A_335 = arith.constant 0 : i32
            %dma_wait3A_336 = tpu.memref_slice %dma_wait3A_334[%run_scoped3A_235, %dma_wait3A_335] : memref<4x128xi32, #tpu.memory_space<vmem>> -> memref<1x128xi32, #tpu.memory_space<vmem>>
            %dma_wait3A_337 = tpu.memref_squeeze %dma_wait3A_336 : memref<1x128xi32, #tpu.memory_space<vmem>> -> memref<128xi32, #tpu.memory_space<vmem>>
            %dma_wait3A_338 = arith.constant 0 : i32
            %dma_wait3A_339 = arith.constant 0 : i32
            %dma_wait3A_340 = tpu.memref_slice %arg2[%dma_wait3A_338, %dma_wait3A_339] : memref<50000x64xf32, #tpu.memory_space<hbm>> -> memref<50000x64xf32, #tpu.memory_space<hbm>>
            tpu.wait_indirect_dma semaphore(%run_scoped3A_307 : memref<!tpu.dma_semaphore, #tpu.memory_space<semaphore_mem>>) src(%dma_wait3A_340 : memref<50000x64xf32, #tpu.memory_space<hbm>>) dst(%dma_wait3A_330 : memref<128x64xf32, #tpu.memory_space<vmem>>)
            tpu.yield
          }) : () -> ()
          %run_scoped3A_236 = arith.constant 3 : i32
          "tpu.region"() ({
            %run_scoped3A_307 = tpu.sem_alloc : memref<!tpu.dma_semaphore, #tpu.memory_space<semaphore_mem>>
            %dma_start3A_308 = arith.constant 0 : i32
            %dma_start3A_309 = arith.constant 0 : i32
            %dma_start3A_310 = tpu.memref_slice %run_scoped3A_18[%rem3A_232, %dma_start3A_308, %dma_start3A_309] : memref<2x512x64xf32, #tpu.memory_space<vmem>> -> memref<1x512x64xf32, #tpu.memory_space<vmem>>
            %dma_start3A_311 = tpu.memref_squeeze %dma_start3A_310 : memref<1x512x64xf32, #tpu.memory_space<vmem>> -> memref<512x64xf32, #tpu.memory_space<vmem>>
            %dma_start3A_312 = arith.constant 384 : i32
            %dma_start3A_313 = arith.constant 0 : i32
            %dma_start3A_314 = tpu.memref_slice %dma_start3A_311[%dma_start3A_312, %dma_start3A_313] : memref<512x64xf32, #tpu.memory_space<vmem>> -> memref<128x64xf32, #tpu.memory_space<vmem>>
            %dma_start3A_315 = arith.constant 0 : i32
            %dma_start3A_316 = arith.constant 0 : i32
            %dma_start3A_317 = tpu.memref_slice %run_scoped3A[%rem3A_230, %dma_start3A_315, %dma_start3A_316] : memref<2x4x128xi32, #tpu.memory_space<vmem>> -> memref<1x4x128xi32, #tpu.memory_space<vmem>>
            %dma_start3A_318 = tpu.memref_squeeze %dma_start3A_317 : memref<1x4x128xi32, #tpu.memory_space<vmem>> -> memref<4x128xi32, #tpu.memory_space<vmem>>
            %dma_start3A_319 = arith.constant 0 : i32
            %dma_start3A_320 = tpu.memref_slice %dma_start3A_318[%run_scoped3A_236, %dma_start3A_319] : memref<4x128xi32, #tpu.memory_space<vmem>> -> memref<1x128xi32, #tpu.memory_space<vmem>>
            %dma_start3A_321 = tpu.memref_squeeze %dma_start3A_320 : memref<1x128xi32, #tpu.memory_space<vmem>> -> memref<128xi32, #tpu.memory_space<vmem>>
            %dma_start3A_322 = arith.constant 0 : i32
            %dma_start3A_323 = arith.constant 0 : i32
            %dma_start3A_324 = tpu.memref_slice %arg2[%dma_start3A_322, %dma_start3A_323] : memref<50000x64xf32, #tpu.memory_space<hbm>> -> memref<50000x64xf32, #tpu.memory_space<hbm>>
            tpu.enqueue_indirect_dma source(%dma_start3A_324 : memref<50000x64xf32, #tpu.memory_space<hbm>>) target(%dma_start3A_314 : memref<128x64xf32, #tpu.memory_space<vmem>>) offsets(%dma_start3A_321 : memref<128xi32, #tpu.memory_space<vmem>>) semaphore(%run_scoped3A_307 : memref<!tpu.dma_semaphore, #tpu.memory_space<semaphore_mem>>)
            %dma_wait3A = arith.constant 0 : i32
            %dma_wait3A_325 = arith.constant 0 : i32
            %dma_wait3A_326 = tpu.memref_slice %run_scoped3A_18[%rem3A_232, %dma_wait3A, %dma_wait3A_325] : memref<2x512x64xf32, #tpu.memory_space<vmem>> -> memref<1x512x64xf32, #tpu.memory_space<vmem>>
            %dma_wait3A_327 = tpu.memref_squeeze %dma_wait3A_326 : memref<1x512x64xf32, #tpu.memory_space<vmem>> -> memref<512x64xf32, #tpu.memory_space<vmem>>
            %dma_wait3A_328 = arith.constant 384 : i32
            %dma_wait3A_329 = arith.constant 0 : i32
            %dma_wait3A_330 = tpu.memref_slice %dma_wait3A_327[%dma_wait3A_328, %dma_wait3A_329] : memref<512x64xf32, #tpu.memory_space<vmem>> -> memref<128x64xf32, #tpu.memory_space<vmem>>
            %dma_wait3A_331 = arith.constant 0 : i32
            %dma_wait3A_332 = arith.constant 0 : i32
            %dma_wait3A_333 = tpu.memref_slice %run_scoped3A[%rem3A_230, %dma_wait3A_331, %dma_wait3A_332] : memref<2x4x128xi32, #tpu.memory_space<vmem>> -> memref<1x4x128xi32, #tpu.memory_space<vmem>>
            %dma_wait3A_334 = tpu.memref_squeeze %dma_wait3A_333 : memref<1x4x128xi32, #tpu.memory_space<vmem>> -> memref<4x128xi32, #tpu.memory_space<vmem>>
            %dma_wait3A_335 = arith.constant 0 : i32
            %dma_wait3A_336 = tpu.memref_slice %dma_wait3A_334[%run_scoped3A_236, %dma_wait3A_335] : memref<4x128xi32, #tpu.memory_space<vmem>> -> memref<1x128xi32, #tpu.memory_space<vmem>>
            %dma_wait3A_337 = tpu.memref_squeeze %dma_wait3A_336 : memref<1x128xi32, #tpu.memory_space<vmem>> -> memref<128xi32, #tpu.memory_space<vmem>>
            %dma_wait3A_338 = arith.constant 0 : i32
            %dma_wait3A_339 = arith.constant 0 : i32
            %dma_wait3A_340 = tpu.memref_slice %arg2[%dma_wait3A_338, %dma_wait3A_339] : memref<50000x64xf32, #tpu.memory_space<hbm>> -> memref<50000x64xf32, #tpu.memory_space<hbm>>
            tpu.wait_indirect_dma semaphore(%run_scoped3A_307 : memref<!tpu.dma_semaphore, #tpu.memory_space<semaphore_mem>>) src(%dma_wait3A_340 : memref<50000x64xf32, #tpu.memory_space<hbm>>) dst(%dma_wait3A_330 : memref<128x64xf32, #tpu.memory_space<vmem>>)
            tpu.yield
          }) : () -> ()
          "tpu.trace_stop"() : () -> ()
          %ne3A_237 = arith.cmpi ne, %add3A_155, %add3A_173 : i32
          %or3A_238 = arith.constant false
          %or3A_239 = arith.ori %or3A_238, %ne3A_237 : i1
          %or3A_240 = arith.constant false
          %or3A_241 = arith.ori %or3A_239, %or3A_240 : i1
          %or3A_242 = arith.ori %or3A_241, %eq3A_154 : i1
          %convert_element_type3A_243 = arith.extui %or3A_242 : i1 to i32
          %cond3A_244 = arith.constant 0 : i32
          %cond3A_245 = arith.cmpi ne, %convert_element_type3A_243, %cond3A_244 : i32
          scf.if %cond3A_245 {
          } else {
          }
          %and3A_246 = arith.constant false
          %and3A_247 = arith.andi %or3A_242, %and3A_246 : i1
          %ne3A_248 = arith.cmpi ne, %add3A_155, %add3A_173 : i32
          %or3A_249 = arith.constant false
          %or3A_250 = arith.ori %or3A_249, %ne3A_248 : i1
          %or3A_251 = arith.constant false
          %or3A_252 = arith.ori %or3A_250, %or3A_251 : i1
          %or3A_253 = arith.ori %or3A_252, %eq3A_154 : i1
          %convert_element_type3A_254 = arith.extui %or3A_253 : i1 to i32
          %cond3A_255 = arith.constant 0 : i32
          %cond3A_256 = arith.cmpi ne, %convert_element_type3A_254, %cond3A_255 : i32
          scf.if %cond3A_256 {
            "tpu.trace_start"() <{level = 10 : i32, message = "ep_copy_out"}> : () -> ()
            %rem3A_307 = arith.constant 2 : i32
            %rem3A_308 = arith.remui %while3A_145, %rem3A_307 : i32
            %mul3A_309 = arith.constant 512 : i32
            %mul3A_310 = arith.muli %mul3A_309, %add3A_155 : i32
            %dma_start3A_311 = arith.constant 0 : i32
            %dma_start3A_312 = arith.constant 0 : i32
            %dma_start3A_313 = tpu.memref_slice %run_scoped3A_18[%rem3A_308, %dma_start3A_311, %dma_start3A_312] : memref<2x512x64xf32, #tpu.memory_space<vmem>> -> memref<1x512x64xf32, #tpu.memory_space<vmem>>
            %dma_start3A_314 = tpu.memref_squeeze %dma_start3A_313 : memref<1x512x64xf32, #tpu.memory_space<vmem>> -> memref<512x64xf32, #tpu.memory_space<vmem>>
            %dma_start3A_315 = arith.constant 0 : i32
            %dma_start3A_316 = tpu.memref_slice %arg4[%mul3A_310, %dma_start3A_315] : memref<450048x64xf32, #tpu.memory_space<hbm>> -> memref<512x64xf32, #tpu.memory_space<hbm>>
            %dma_start3A_317 = tpu.memref_slice %run_scoped3A_19[%rem3A_308] : memref<2x!tpu.dma_semaphore, #tpu.memory_space<semaphore_mem>> -> memref<1x!tpu.dma_semaphore, #tpu.memory_space<semaphore_mem>>
            %dma_start3A_318 = tpu.memref_squeeze %dma_start3A_317 : memref<1x!tpu.dma_semaphore, #tpu.memory_space<semaphore_mem>> -> memref<!tpu.dma_semaphore, #tpu.memory_space<semaphore_mem>>
            %dma_start3A_319 = arith.constant 0 : i32
            %dma_start3A_320 = tpu.memref_slice %arg4[%mul3A_310, %dma_start3A_319] : memref<450048x64xf32, #tpu.memory_space<hbm>> -> memref<512x64xf32, #tpu.memory_space<hbm>>
            %dma_start3A_321 = arith.constant 0 : i32
            %dma_start3A_322 = arith.constant 0 : i32
            %dma_start3A_323 = tpu.memref_slice %run_scoped3A_18[%rem3A_308, %dma_start3A_321, %dma_start3A_322] : memref<2x512x64xf32, #tpu.memory_space<vmem>> -> memref<1x512x64xf32, #tpu.memory_space<vmem>>
            %dma_start3A_324 = tpu.memref_squeeze %dma_start3A_323 : memref<1x512x64xf32, #tpu.memory_space<vmem>> -> memref<512x64xf32, #tpu.memory_space<vmem>>
            tpu.enqueue_dma source(%dma_start3A_324 : memref<512x64xf32, #tpu.memory_space<vmem>>) target(%dma_start3A_320 : memref<512x64xf32, #tpu.memory_space<hbm>>) target_semaphore(%dma_start3A_318 : memref<!tpu.dma_semaphore, #tpu.memory_space<semaphore_mem>>)
            "tpu.trace_stop"() : () -> ()
          } else {
          }
          %and3A_257 = arith.constant true
          %and3A_258 = arith.andi %or3A_253, %and3A_257 : i1
          %add3A_259 = arith.constant 1 : i32
          %add3A_260 = arith.addi %while3A_145, %add3A_259 : i32
          %select_n3A_261 = arith.select %and3A_258, %add3A_260, %while3A_145 : i32
          %ne3A_262 = arith.cmpi ne, %add3A_155, %add3A_165 : i32
          %or3A_263 = arith.constant false
          %or3A_264 = arith.ori %or3A_263, %ne3A_262 : i1
          %or3A_265 = arith.constant false
          %or3A_266 = arith.ori %or3A_264, %or3A_265 : i1
          %not3A_267 = arith.constant true
          %not3A_268 = arith.xori %eq3A_151, %not3A_267 : i1
          %and3A_269 = arith.andi %or3A_266, %not3A_268 : i1
          %convert_element_type3A_270 = arith.extui %and3A_269 : i1 to i32
          %cond3A_271 = arith.constant 0 : i32
          %cond3A_272 = arith.cmpi ne, %convert_element_type3A_270, %cond3A_271 : i32
          scf.if %cond3A_272 {
          } else {
          }
          %and3A_273 = arith.constant false
          %and3A_274 = arith.andi %and3A_269, %and3A_273 : i1
          %ne3A_275 = arith.cmpi ne, %add3A_155, %add3A_165 : i32
          %or3A_276 = arith.constant false
          %or3A_277 = arith.ori %or3A_276, %ne3A_275 : i1
          %or3A_278 = arith.constant false
          %or3A_279 = arith.ori %or3A_277, %or3A_278 : i1
          %not3A_280 = arith.constant true
          %not3A_281 = arith.xori %eq3A_151, %not3A_280 : i1
          %and3A_282 = arith.andi %or3A_279, %not3A_281 : i1
          %convert_element_type3A_283 = arith.extui %and3A_282 : i1 to i32
          %cond3A_284 = arith.constant 0 : i32
          %cond3A_285 = arith.cmpi ne, %convert_element_type3A_283, %cond3A_284 : i32
          scf.if %cond3A_285 {
            "tpu.trace_start"() <{level = 10 : i32, message = "ep_wait_out"}> : () -> ()
            %rem3A_307 = arith.constant 2 : i32
            %rem3A_308 = arith.remui %while3A_146, %rem3A_307 : i32
            %mul3A_309 = arith.constant 512 : i32
            %mul3A_310 = arith.muli %mul3A_309, %add3A_165 : i32
            %dma_wait3A = arith.constant 0 : i32
            %dma_wait3A_311 = arith.constant 0 : i32
            %dma_wait3A_312 = tpu.memref_slice %run_scoped3A_18[%rem3A_308, %dma_wait3A, %dma_wait3A_311] : memref<2x512x64xf32, #tpu.memory_space<vmem>> -> memref<1x512x64xf32, #tpu.memory_space<vmem>>
            %dma_wait3A_313 = tpu.memref_squeeze %dma_wait3A_312 : memref<1x512x64xf32, #tpu.memory_space<vmem>> -> memref<512x64xf32, #tpu.memory_space<vmem>>
            %dma_wait3A_314 = arith.constant 0 : i32
            %dma_wait3A_315 = tpu.memref_slice %arg4[%mul3A_310, %dma_wait3A_314] : memref<450048x64xf32, #tpu.memory_space<hbm>> -> memref<512x64xf32, #tpu.memory_space<hbm>>
            %dma_wait3A_316 = tpu.memref_slice %run_scoped3A_19[%rem3A_308] : memref<2x!tpu.dma_semaphore, #tpu.memory_space<semaphore_mem>> -> memref<1x!tpu.dma_semaphore, #tpu.memory_space<semaphore_mem>>
            %dma_wait3A_317 = tpu.memref_squeeze %dma_wait3A_316 : memref<1x!tpu.dma_semaphore, #tpu.memory_space<semaphore_mem>> -> memref<!tpu.dma_semaphore, #tpu.memory_space<semaphore_mem>>
            %dma_wait3A_318 = arith.constant 0 : i32
            %dma_wait3A_319 = tpu.memref_slice %arg4[%mul3A_310, %dma_wait3A_318] : memref<450048x64xf32, #tpu.memory_space<hbm>> -> memref<512x64xf32, #tpu.memory_space<hbm>>
            %dma_wait3A_320 = arith.constant 0 : i32
            %dma_wait3A_321 = arith.constant 0 : i32
            %dma_wait3A_322 = tpu.memref_slice %run_scoped3A_18[%rem3A_308, %dma_wait3A_320, %dma_wait3A_321] : memref<2x512x64xf32, #tpu.memory_space<vmem>> -> memref<1x512x64xf32, #tpu.memory_space<vmem>>
            %dma_wait3A_323 = tpu.memref_squeeze %dma_wait3A_322 : memref<1x512x64xf32, #tpu.memory_space<vmem>> -> memref<512x64xf32, #tpu.memory_space<vmem>>
            tpu.wait_dma2 semaphore(%dma_wait3A_317 : memref<!tpu.dma_semaphore, #tpu.memory_space<semaphore_mem>>) src(%dma_wait3A_323 : memref<512x64xf32, #tpu.memory_space<vmem>>) dst(%dma_wait3A_319 : memref<512x64xf32, #tpu.memory_space<hbm>>)
            "tpu.trace_stop"() : () -> ()
          } else {
          }
          %and3A_286 = arith.constant true
          %and3A_287 = arith.andi %and3A_282, %and3A_286 : i1
          %add3A_288 = arith.constant 1 : i32
          %add3A_289 = arith.addi %while3A_146, %add3A_288 : i32
          %select_n3A_290 = arith.select %and3A_287, %add3A_289, %while3A_146 : i32
          %ne3A_291 = arith.cmpi ne, %add3A_155, %add3A_173 : i32
          %or3A_292 = arith.constant false
          %or3A_293 = arith.ori %or3A_292, %ne3A_291 : i1
          %or3A_294 = arith.constant false
          %or3A_295 = arith.ori %or3A_293, %or3A_294 : i1
          %or3A_296 = arith.ori %or3A_295, %eq3A_154 : i1
          %add3A_297 = arith.constant 1 : i32
          %add3A_298 = arith.addi %while3A_144, %add3A_297 : i32
          %select_n3A_299 = arith.select %or3A_296, %add3A_298, %while3A_144 : i32
          %add3A_300 = arith.constant 1 : i32
          %add3A_301 = arith.addi %while3A_147, %add3A_300 : i32
          %select_n3A_302 = arith.constant true
          %select_n3A_303 = arith.select %select_n3A_302, %add3A_301, %while3A_147 : i32
          %eq3A_304 = arith.cmpi eq, %select_n3A_303, %select_n3A : i32
          %select_n3A_305 = arith.constant 0 : i32
          %select_n3A_306 = arith.select %eq3A_304, %select_n3A_305, %select_n3A_303 : i32
          scf.yield %select_n3A_197, %select_n3A_299, %select_n3A_261, %select_n3A_290, %select_n3A_306 : i32, i32, i32, i32, i32
        }
        %sub3A_91 = arith.constant 1 : i32
        %sub3A_92 = arith.subi %while3A_90#4, %sub3A_91 : i32
        %select_n3A_93 = arith.constant true
        %select_n3A_94 = arith.select %select_n3A_93, %sub3A_92, %while3A_90#4 : i32
        %eq3A_95 = arith.constant -1 : i32
        %eq3A_96 = arith.cmpi eq, %select_n3A_94, %eq3A_95 : i32
        %sub3A_97 = arith.constant 1 : i32
        %sub3A_98 = arith.subi %select_n3A, %sub3A_97 : i32
        %select_n3A_99 = arith.select %eq3A_96, %sub3A_98, %select_n3A_94 : i32
        %sub3A_100 = arith.constant 1 : i32
        %sub3A_101 = arith.subi %mul3A_16, %sub3A_100 : i32
        %mul3A_102 = arith.constant 1 : i32
        %mul3A_103 = arith.muli %mul3A_102, %select_n3A : i32
        %eq3A_104 = arith.constant 0 : i32
        %eq3A_105 = arith.cmpi eq, %sub3A_101, %eq3A_104 : i32
        %sub3A_106 = arith.constant 1 : i32
        %sub3A_107 = arith.subi %mul3A_103, %sub3A_106 : i32
        %eq3A_108 = arith.cmpi eq, %sub3A_101, %sub3A_107 : i32
        %add3A_109 = arith.addi %select_n3A_99, %select_n3A_14 : i32
        %sub3A_110 = arith.constant 1 : i32
        %sub3A_111 = arith.subi %select_n3A_99, %sub3A_110 : i32
        %select_n3A_112 = arith.constant true
        %select_n3A_113 = arith.select %select_n3A_112, %sub3A_111, %select_n3A_99 : i32
        %eq3A_114 = arith.constant -1 : i32
        %eq3A_115 = arith.cmpi eq, %select_n3A_113, %eq3A_114 : i32
        %sub3A_116 = arith.constant 1 : i32
        %sub3A_117 = arith.subi %select_n3A, %sub3A_116 : i32
        %select_n3A_118 = arith.select %eq3A_115, %sub3A_117, %select_n3A_113 : i32
        %add3A_119 = arith.addi %select_n3A_118, %select_n3A_14 : i32
        %add3A_120 = arith.constant 1 : i32
        %add3A_121 = arith.addi %select_n3A_99, %add3A_120 : i32
        %select_n3A_122 = arith.constant true
        %select_n3A_123 = arith.select %select_n3A_122, %add3A_121, %select_n3A_99 : i32
        %eq3A_124 = arith.cmpi eq, %select_n3A_123, %select_n3A : i32
        %select_n3A_125 = arith.constant 0 : i32
        %select_n3A_126 = arith.select %eq3A_124, %select_n3A_125, %select_n3A_123 : i32
        %add3A_127 = arith.addi %select_n3A_126, %select_n3A_14 : i32
        %add3A_128 = arith.constant 1 : i32
        %add3A_129 = arith.addi %select_n3A_126, %add3A_128 : i32
        %select_n3A_130 = arith.constant true
        %select_n3A_131 = arith.select %select_n3A_130, %add3A_129, %select_n3A_126 : i32
        %eq3A_132 = arith.cmpi eq, %select_n3A_131, %select_n3A : i32
        %select_n3A_133 = arith.constant 0 : i32
        %select_n3A_134 = arith.select %eq3A_132, %select_n3A_133, %select_n3A_131 : i32
        %add3A_135 = arith.addi %select_n3A_134, %select_n3A_14 : i32
        %convert_element_type3A_136 = arith.extui %eq3A_108 : i1 to i32
        %cond3A_137 = arith.constant 0 : i32
        %cond3A_138 = arith.cmpi ne, %convert_element_type3A_136, %cond3A_137 : i32
        scf.if %cond3A_138 {
        } else {
        }
        %convert_element_type3A_139 = arith.extui %eq3A_108 : i1 to i32
        %cond3A_140 = arith.constant 0 : i32
        %cond3A_141 = arith.cmpi ne, %convert_element_type3A_139, %cond3A_140 : i32
        scf.if %cond3A_141 {
          "tpu.trace_start"() <{level = 10 : i32, message = "ep_finalize"}> : () -> ()
          %rem3A_142 = arith.constant 2 : i32
          %rem3A_143 = arith.remui %while3A_90#3, %rem3A_142 : i32
          %mul3A_144 = arith.constant 512 : i32
          %mul3A_145 = arith.muli %mul3A_144, %add3A_109 : i32
          %dma_wait3A = arith.constant 0 : i32
          %dma_wait3A_146 = arith.constant 0 : i32
          %dma_wait3A_147 = tpu.memref_slice %run_scoped3A_18[%rem3A_143, %dma_wait3A, %dma_wait3A_146] : memref<2x512x64xf32, #tpu.memory_space<vmem>> -> memref<1x512x64xf32, #tpu.memory_space<vmem>>
          %dma_wait3A_148 = tpu.memref_squeeze %dma_wait3A_147 : memref<1x512x64xf32, #tpu.memory_space<vmem>> -> memref<512x64xf32, #tpu.memory_space<vmem>>
          %dma_wait3A_149 = arith.constant 0 : i32
          %dma_wait3A_150 = tpu.memref_slice %arg4[%mul3A_145, %dma_wait3A_149] : memref<450048x64xf32, #tpu.memory_space<hbm>> -> memref<512x64xf32, #tpu.memory_space<hbm>>
          %dma_wait3A_151 = tpu.memref_slice %run_scoped3A_19[%rem3A_143] : memref<2x!tpu.dma_semaphore, #tpu.memory_space<semaphore_mem>> -> memref<1x!tpu.dma_semaphore, #tpu.memory_space<semaphore_mem>>
          %dma_wait3A_152 = tpu.memref_squeeze %dma_wait3A_151 : memref<1x!tpu.dma_semaphore, #tpu.memory_space<semaphore_mem>> -> memref<!tpu.dma_semaphore, #tpu.memory_space<semaphore_mem>>
          %dma_wait3A_153 = arith.constant 0 : i32
          %dma_wait3A_154 = tpu.memref_slice %arg4[%mul3A_145, %dma_wait3A_153] : memref<450048x64xf32, #tpu.memory_space<hbm>> -> memref<512x64xf32, #tpu.memory_space<hbm>>
          %dma_wait3A_155 = arith.constant 0 : i32
          %dma_wait3A_156 = arith.constant 0 : i32
          %dma_wait3A_157 = tpu.memref_slice %run_scoped3A_18[%rem3A_143, %dma_wait3A_155, %dma_wait3A_156] : memref<2x512x64xf32, #tpu.memory_space<vmem>> -> memref<1x512x64xf32, #tpu.memory_space<vmem>>
          %dma_wait3A_158 = tpu.memref_squeeze %dma_wait3A_157 : memref<1x512x64xf32, #tpu.memory_space<vmem>> -> memref<512x64xf32, #tpu.memory_space<vmem>>
          tpu.wait_dma2 semaphore(%dma_wait3A_152 : memref<!tpu.dma_semaphore, #tpu.memory_space<semaphore_mem>>) src(%dma_wait3A_158 : memref<512x64xf32, #tpu.memory_space<vmem>>) dst(%dma_wait3A_154 : memref<512x64xf32, #tpu.memory_space<hbm>>)
          "tpu.trace_stop"() : () -> ()
        } else {
        }
      } else {
      }
      tpu.yield
    }) : () -> ()
    return
  }
}

module attributes {stable_mosaic.version = 14 : i64} {
  func.func @_stats_body(%arg0: i32, %arg1: memref<5000x128xf32, #tpu.memory_space<vmem>>, %arg2: memref<1x128xf32, #tpu.memory_space<vmem>>, %arg3: memref<1x128xf32, #tpu.memory_space<vmem>>, %arg4: memref<1x128xf32, #tpu.memory_space<vmem>>, %arg5: memref<1x128xf32, #tpu.memory_space<vmem>>, %arg6: memref<2x128xf32, #tpu.memory_space<vmem>>) attributes {dimension_semantics = [#tpu.dimension_semantics<arbitrary>], iteration_bounds = array<i64: 10>, scalar_prefetch = 0 : i64, scratch_operands = 1 : i64, tpu.core_type = #tpu.core_type<tc>, window_params = [{transform_indices = @transform_0, window_bounds = array<i64: 5000, 128>}, {pipeline_mode = #tpu.pipeline_mode<synchronous>, transform_indices = @transform_1, window_bounds = array<i64: 1, 128>}, {pipeline_mode = #tpu.pipeline_mode<synchronous>, transform_indices = @transform_2, window_bounds = array<i64: 1, 128>}, {pipeline_mode = #tpu.pipeline_mode<synchronous>, transform_indices = @transform_3, window_bounds = array<i64: 1, 128>}, {pipeline_mode = #tpu.pipeline_mode<synchronous>, transform_indices = @transform_4, window_bounds = array<i64: 1, 128>}]} {
    %eq3A = arith.constant 0 : i32
    %eq3A_0 = arith.cmpi eq, %arg0, %eq3A : i32
    %convert_element_type3A = arith.extui %eq3A_0 : i1 to i32
    %cond3A = arith.constant 0 : i32
    %cond3A_1 = arith.cmpi ne, %convert_element_type3A, %cond3A : i32
    scf.if %cond3A_1 {
      %broadcast_in_dim3A_25 = arith.constant 0.000000e+00 : f32
      %broadcast_in_dim3A_26 = vector.broadcast %broadcast_in_dim3A_25 : f32 to vector<2x128xf32>
      %swap3A_27 = arith.constant 0 : index
      %swap3A_28 = arith.constant 0 : index
      %swap3A_29 = vector.load %arg6[%swap3A_27, %swap3A_28] : memref<2x128xf32, #tpu.memory_space<vmem>>, vector<2x128xf32>
      tpu.vector_store %arg6[%swap3A_27, %swap3A_28], %broadcast_in_dim3A_26 {strides = array<i32>} : memref<2x128xf32, #tpu.memory_space<vmem>>, vector<2x128xf32>,
    } else {
    }
    %get3A = arith.constant 0 : index
    %get3A_2 = arith.constant 0 : index
    %get3A_3 = vector.load %arg1[%get3A, %get3A_2] : memref<5000x128xf32, #tpu.memory_space<vmem>>, vector<5000x128xf32>
    %get3A_4 = arith.constant 0 : index
    %get3A_5 = arith.constant 0 : index
    %get3A_6 = vector.load %arg6[%get3A_4, %get3A_5] : memref<2x128xf32, #tpu.memory_space<vmem>>, vector<1x128xf32>
    %reduce_sum3A = arith.constant dense<0.000000e+00> : vector<128xf32>
    %reduce_sum3A_7 = vector.multi_reduction <add>, %get3A_3, %reduce_sum3A [0] : vector<5000x128xf32> to vector<128xf32>
    %broadcast_in_dim3A = vector.shape_cast %reduce_sum3A_7 : vector<128xf32> to vector<1x128xf32>
    %add3A = arith.addf %get3A_6, %broadcast_in_dim3A : vector<1x128xf32>
    %swap3A = arith.constant 0 : index
    %swap3A_8 = arith.constant 0 : index
    %swap3A_9 = vector.load %arg6[%swap3A, %swap3A_8] : memref<2x128xf32, #tpu.memory_space<vmem>>, vector<1x128xf32>
    tpu.vector_store %arg6[%swap3A, %swap3A_8], %add3A {strides = array<i32>} : memref<2x128xf32, #tpu.memory_space<vmem>>, vector<1x128xf32>,
    %get3A_10 = arith.constant 1 : index
    %get3A_11 = arith.constant 0 : index
    %get3A_12 = vector.load %arg6[%get3A_10, %get3A_11] : memref<2x128xf32, #tpu.memory_space<vmem>>, vector<1x128xf32>
    %mul3A = arith.mulf %get3A_3, %get3A_3 : vector<5000x128xf32>
    %reduce_sum3A_13 = arith.constant dense<0.000000e+00> : vector<128xf32>
    %reduce_sum3A_14 = vector.multi_reduction <add>, %mul3A, %reduce_sum3A_13 [0] : vector<5000x128xf32> to vector<128xf32>
    %broadcast_in_dim3A_15 = vector.shape_cast %reduce_sum3A_14 : vector<128xf32> to vector<1x128xf32>
    %add3A_16 = arith.addf %get3A_12, %broadcast_in_dim3A_15 : vector<1x128xf32>
    %swap3A_17 = arith.constant 1 : index
    %swap3A_18 = arith.constant 0 : index
    %swap3A_19 = vector.load %arg6[%swap3A_17, %swap3A_18] : memref<2x128xf32, #tpu.memory_space<vmem>>, vector<1x128xf32>
    tpu.vector_store %arg6[%swap3A_17, %swap3A_18], %add3A_16 {strides = array<i32>} : memref<2x128xf32, #tpu.memory_space<vmem>>, vector<1x128xf32>,
    %eq3A_20 = arith.constant 9 : i32
    %eq3A_21 = arith.cmpi eq, %arg0, %eq3A_20 : i32
    %convert_element_type3A_22 = arith.extui %eq3A_21 : i1 to i32
    %cond3A_23 = arith.constant 0 : i32
    %cond3A_24 = arith.cmpi ne, %convert_element_type3A_22, %cond3A_23 : i32
    scf.if %cond3A_24 {
      %iota3A = tpu.iota {dimensions = array<i32: 0>} : vector<128x128xi32>
      %jit3A = arith.constant 4 : i32
      %div3A = vector.broadcast %jit3A : i32 to vector<128x128xi32>
      %div3A_25 = arith.divsi %iota3A, %div3A : vector<128x128xi32>
      %sign3A = arith.constant 0 : i32
      %sign3A_26 = vector.broadcast %sign3A : i32 to vector<128x128xi32>
      %sign3A_27 = arith.cmpi sgt, %iota3A, %sign3A_26 : vector<128x128xi32>
      %sign3A_28 = arith.extui %sign3A_27 : vector<128x128xi1> to vector<128x128xi32>
      %sign3A_29 = arith.constant 0 : i32
      %sign3A_30 = vector.broadcast %sign3A_29 : i32 to vector<128x128xi32>
      %sign3A_31 = arith.cmpi slt, %iota3A, %sign3A_30 : vector<128x128xi32>
      %sign3A_32 = arith.extui %sign3A_31 : vector<128x128xi1> to vector<128x128xi32>
      %sign3A_33 = arith.subi %sign3A_28, %sign3A_32 : vector<128x128xi32>
      %sign3A_34 = arith.constant 0 : i32
      %sign3A_35 = arith.cmpi sgt, %jit3A, %sign3A_34 : i32
      %sign3A_36 = arith.extui %sign3A_35 : i1 to i32
      %sign3A_37 = arith.constant 0 : i32
      %sign3A_38 = arith.cmpi slt, %jit3A, %sign3A_37 : i32
      %sign3A_39 = arith.extui %sign3A_38 : i1 to i32
      %sign3A_40 = arith.subi %sign3A_36, %sign3A_39 : i32
      %ne3A = vector.broadcast %sign3A_40 : i32 to vector<128x128xi32>
      %ne3A_41 = arith.cmpi ne, %sign3A_33, %ne3A : vector<128x128xi32>
      %rem3A = vector.broadcast %jit3A : i32 to vector<128x128xi32>
      %rem3A_42 = arith.remsi %iota3A, %rem3A : vector<128x128xi32>
      %ne3A_43 = arith.constant 0 : i32
      %ne3A_44 = vector.broadcast %ne3A_43 : i32 to vector<128x128xi32>
      %ne3A_45 = arith.cmpi ne, %rem3A_42, %ne3A_44 : vector<128x128xi32>
      %and3A = arith.andi %ne3A_41, %ne3A_45 : vector<128x128xi1>
      %sub3A = arith.constant 1 : i32
      %sub3A_46 = vector.broadcast %sub3A : i32 to vector<128x128xi32>
      %sub3A_47 = arith.subi %div3A_25, %sub3A_46 : vector<128x128xi32>
      %select_n3A = arith.select %and3A, %sub3A_47, %div3A_25 : vector<128x128xi1>, vector<128x128xi32>
      %iota3A_48 = tpu.iota {dimensions = array<i32: 1>} : vector<128x128xi32>
      %jit3A_49 = arith.constant 4 : i32
      %div3A_50 = vector.broadcast %jit3A_49 : i32 to vector<128x128xi32>
      %div3A_51 = arith.divsi %iota3A_48, %div3A_50 : vector<128x128xi32>
      %sign3A_52 = arith.constant 0 : i32
      %sign3A_53 = vector.broadcast %sign3A_52 : i32 to vector<128x128xi32>
      %sign3A_54 = arith.cmpi sgt, %iota3A_48, %sign3A_53 : vector<128x128xi32>
      %sign3A_55 = arith.extui %sign3A_54 : vector<128x128xi1> to vector<128x128xi32>
      %sign3A_56 = arith.constant 0 : i32
      %sign3A_57 = vector.broadcast %sign3A_56 : i32 to vector<128x128xi32>
      %sign3A_58 = arith.cmpi slt, %iota3A_48, %sign3A_57 : vector<128x128xi32>
      %sign3A_59 = arith.extui %sign3A_58 : vector<128x128xi1> to vector<128x128xi32>
      %sign3A_60 = arith.subi %sign3A_55, %sign3A_59 : vector<128x128xi32>
      %sign3A_61 = arith.constant 0 : i32
      %sign3A_62 = arith.cmpi sgt, %jit3A_49, %sign3A_61 : i32
      %sign3A_63 = arith.extui %sign3A_62 : i1 to i32
      %sign3A_64 = arith.constant 0 : i32
      %sign3A_65 = arith.cmpi slt, %jit3A_49, %sign3A_64 : i32
      %sign3A_66 = arith.extui %sign3A_65 : i1 to i32
      %sign3A_67 = arith.subi %sign3A_63, %sign3A_66 : i32
      %ne3A_68 = vector.broadcast %sign3A_67 : i32 to vector<128x128xi32>
      %ne3A_69 = arith.cmpi ne, %sign3A_60, %ne3A_68 : vector<128x128xi32>
      %rem3A_70 = vector.broadcast %jit3A_49 : i32 to vector<128x128xi32>
      %rem3A_71 = arith.remsi %iota3A_48, %rem3A_70 : vector<128x128xi32>
      %ne3A_72 = arith.constant 0 : i32
      %ne3A_73 = vector.broadcast %ne3A_72 : i32 to vector<128x128xi32>
      %ne3A_74 = arith.cmpi ne, %rem3A_71, %ne3A_73 : vector<128x128xi32>
      %and3A_75 = arith.andi %ne3A_69, %ne3A_74 : vector<128x128xi1>
      %sub3A_76 = arith.constant 1 : i32
      %sub3A_77 = vector.broadcast %sub3A_76 : i32 to vector<128x128xi32>
      %sub3A_78 = arith.subi %div3A_51, %sub3A_77 : vector<128x128xi32>
      %select_n3A_79 = arith.select %and3A_75, %sub3A_78, %div3A_51 : vector<128x128xi1>, vector<128x128xi32>
      %eq3A_80 = arith.cmpi eq, %select_n3A, %select_n3A_79 : vector<128x128xi32>
      %convert_element_type3A_81 = arith.extui %eq3A_80 : vector<128x128xi1> to vector<128x128xi32>
      %convert_element_type3A_82 = arith.sitofp %convert_element_type3A_81 : vector<128x128xi32> to vector<128x128xf32>
      %get3A_83 = arith.constant 0 : index
      %get3A_84 = arith.constant 0 : index
      %get3A_85 = vector.load %arg6[%get3A_83, %get3A_84] : memref<2x128xf32, #tpu.memory_space<vmem>>, vector<1x128xf32>
      %dot_general3A = arith.constant dense<0.000000e+00> : vector<1x128xf32>
      %dot_general3A_86 = tpu.matmul %get3A_85, %convert_element_type3A_82, %dot_general3A {dimension_numbers = #tpu.dot_dimension_numbers<[1], [0], [0], [1], [0, 0, 1, 1], [], []>, transpose_lhs_hint = false} : vector<1x128xf32>, vector<128x128xf32>, vector<1x128xf32> -> vector<1x128xf32>
      %get3A_87 = arith.constant 1 : index
      %get3A_88 = arith.constant 0 : index
      %get3A_89 = vector.load %arg6[%get3A_87, %get3A_88] : memref<2x128xf32, #tpu.memory_space<vmem>>, vector<1x128xf32>
      %dot_general3A_90 = arith.constant dense<0.000000e+00> : vector<1x128xf32>
      %dot_general3A_91 = tpu.matmul %get3A_89, %convert_element_type3A_82, %dot_general3A_90 {dimension_numbers = #tpu.dot_dimension_numbers<[1], [0], [0], [1], [0, 0, 1, 1], [], []>, transpose_lhs_hint = false} : vector<1x128xf32>, vector<128x128xf32>, vector<1x128xf32> -> vector<1x128xf32>
      %div3A_92 = arith.constant 2.000000e+05 : f32
      %div3A_93 = vector.broadcast %div3A_92 : f32 to vector<1x128xf32>
      %div3A_94 = arith.divf %dot_general3A_86, %div3A_93 : vector<1x128xf32>
      %div3A_95 = arith.constant 2.000000e+05 : f32
      %div3A_96 = vector.broadcast %div3A_95 : f32 to vector<1x128xf32>
      %div3A_97 = arith.divf %dot_general3A_91, %div3A_96 : vector<1x128xf32>
      %mul3A_98 = arith.mulf %div3A_94, %div3A_94 : vector<1x128xf32>
      %sub3A_99 = arith.subf %div3A_97, %mul3A_98 : vector<1x128xf32>
      %add3A_100 = arith.constant 9.99999974E-6 : f32
      %add3A_101 = vector.broadcast %add3A_100 : f32 to vector<1x128xf32>
      %add3A_102 = arith.addf %sub3A_99, %add3A_101 : vector<1x128xf32>
      %rsqrt3A = math.rsqrt %add3A_102 : vector<1x128xf32>
      %get3A_103 = arith.constant 0 : index
      %get3A_104 = arith.constant 0 : index
      %get3A_105 = vector.load %arg2[%get3A_103, %get3A_104] : memref<1x128xf32, #tpu.memory_space<vmem>>, vector<1x128xf32>
      %mul3A_106 = arith.mulf %get3A_105, %rsqrt3A : vector<1x128xf32>
      %swap3A_107 = arith.constant 0 : index
      %swap3A_108 = arith.constant 0 : index
      %swap3A_109 = vector.load %arg4[%swap3A_107, %swap3A_108] : memref<1x128xf32, #tpu.memory_space<vmem>>, vector<1x128xf32>
      tpu.vector_store %arg4[%swap3A_107, %swap3A_108], %mul3A_106 {strides = array<i32>} : memref<1x128xf32, #tpu.memory_space<vmem>>, vector<1x128xf32>,
      %get3A_110 = arith.constant 0 : index
      %get3A_111 = arith.constant 0 : index
      %get3A_112 = vector.load %arg3[%get3A_110, %get3A_111] : memref<1x128xf32, #tpu.memory_space<vmem>>, vector<1x128xf32>
      %mul3A_113 = arith.mulf %div3A_94, %mul3A_106 : vector<1x128xf32>
      %sub3A_114 = arith.subf %get3A_112, %mul3A_113 : vector<1x128xf32>
      %swap3A_115 = arith.constant 0 : index
      %swap3A_116 = arith.constant 0 : index
      %swap3A_117 = vector.load %arg5[%swap3A_115, %swap3A_116] : memref<1x128xf32, #tpu.memory_space<vmem>>, vector<1x128xf32>
      tpu.vector_store %arg5[%swap3A_115, %swap3A_116], %sub3A_114 {strides = array<i32>} : memref<1x128xf32, #tpu.memory_space<vmem>>, vector<1x128xf32>,
    } else {
    }
    return
  }
  func.func @transform_0(%arg0: i32) -> (i32, i32) {
    %c0_i32 = arith.constant 0 : i32
    %c0_i32_0 = arith.constant 0 : i32
    return %arg0, %c0_i32 : i32, i32
  }
  func.func @transform_1(%arg0: i32) -> (i32, i32) {
    %c0_i32 = arith.constant 0 : i32
    %c0_i32_0 = arith.constant 0 : i32
    %c0_i32_1 = arith.constant 0 : i32
    return %c0_i32, %c0_i32_0 : i32, i32
  }
  func.func @transform_2(%arg0: i32) -> (i32, i32) {
    %c0_i32 = arith.constant 0 : i32
    %c0_i32_0 = arith.constant 0 : i32
    %c0_i32_1 = arith.constant 0 : i32
    return %c0_i32, %c0_i32_0 : i32, i32
  }
  func.func @transform_3(%arg0: i32) -> (i32, i32) {
    %c0_i32 = arith.constant 0 : i32
    %c0_i32_0 = arith.constant 0 : i32
    %c0_i32_1 = arith.constant 0 : i32
    return %c0_i32, %c0_i32_0 : i32, i32
  }
  func.func @transform_4(%arg0: i32) -> (i32, i32) {
    %c0_i32 = arith.constant 0 : i32
    %c0_i32_0 = arith.constant 0 : i32
    %c0_i32_1 = arith.constant 0 : i32
    return %c0_i32, %c0_i32_0 : i32, i32
  }
}

module attributes {stable_mosaic.version = 14 : i64} {
  func.func @_norm_body(%arg0: i32, %arg1: memref<5000x128xf32, #tpu.memory_space<vmem>>, %arg2: memref<5000x128xf32, #tpu.memory_space<vmem>>, %arg3: memref<1x128xf32, #tpu.memory_space<vmem>>, %arg4: memref<1x128xf32, #tpu.memory_space<vmem>>, %arg5: memref<5000x128xf32, #tpu.memory_space<vmem>>) attributes {dimension_semantics = [#tpu.dimension_semantics<arbitrary>], iteration_bounds = array<i64: 5>, scalar_prefetch = 0 : i64, scratch_operands = 0 : i64, tpu.core_type = #tpu.core_type<tc>, window_params = [{transform_indices = @transform_0, window_bounds = array<i64: 5000, 128>}, {transform_indices = @transform_1, window_bounds = array<i64: 5000, 128>}, {pipeline_mode = #tpu.pipeline_mode<synchronous>, transform_indices = @transform_2, window_bounds = array<i64: 1, 128>}, {pipeline_mode = #tpu.pipeline_mode<synchronous>, transform_indices = @transform_3, window_bounds = array<i64: 1, 128>}, {transform_indices = @transform_4, window_bounds = array<i64: 5000, 128>}]} {
    %get3A = arith.constant 0 : index
    %get3A_0 = arith.constant 0 : index
    %get3A_1 = vector.load %arg3[%get3A, %get3A_0] : memref<1x128xf32, #tpu.memory_space<vmem>>, vector<1x128xf32>
    %get3A_2 = arith.constant 0 : index
    %get3A_3 = arith.constant 0 : index
    %get3A_4 = vector.load %arg4[%get3A_2, %get3A_3] : memref<1x128xf32, #tpu.memory_space<vmem>>, vector<1x128xf32>
    %get3A_5 = arith.constant 0 : index
    %get3A_6 = arith.constant 0 : index
    %get3A_7 = vector.load %arg1[%get3A_5, %get3A_6] : memref<5000x128xf32, #tpu.memory_space<vmem>>, vector<5000x128xf32>
    %mul3A = vector.broadcast %get3A_1 : vector<1x128xf32> to vector<5000x128xf32>
    %mul3A_8 = arith.mulf %get3A_7, %mul3A : vector<5000x128xf32>
    %add3A = vector.broadcast %get3A_4 : vector<1x128xf32> to vector<5000x128xf32>
    %add3A_9 = arith.addf %mul3A_8, %add3A : vector<5000x128xf32>
    %max3A = arith.constant 0.000000e+00 : f32
    %max3A_10 = vector.broadcast %max3A : f32 to vector<5000x128xf32>
    %max3A_11 = arith.maximumf %add3A_9, %max3A_10 : vector<5000x128xf32>
    %get3A_12 = arith.constant 0 : index
    %get3A_13 = arith.constant 0 : index
    %get3A_14 = vector.load %arg2[%get3A_12, %get3A_13] : memref<5000x128xf32, #tpu.memory_space<vmem>>, vector<5000x128xf32>
    %mul3A_15 = vector.broadcast %get3A_1 : vector<1x128xf32> to vector<5000x128xf32>
    %mul3A_16 = arith.mulf %get3A_14, %mul3A_15 : vector<5000x128xf32>
    %add3A_17 = vector.broadcast %get3A_4 : vector<1x128xf32> to vector<5000x128xf32>
    %add3A_18 = arith.addf %mul3A_16, %add3A_17 : vector<5000x128xf32>
    %max3A_19 = arith.constant 0.000000e+00 : f32
    %max3A_20 = vector.broadcast %max3A_19 : f32 to vector<5000x128xf32>
    %max3A_21 = arith.maximumf %add3A_18, %max3A_20 : vector<5000x128xf32>
    %slice3A = vector.extract_strided_slice %max3A_11 {offsets = [0, 0], sizes = [5000, 64], strides = [1, 1]} : vector<5000x128xf32> to vector<5000x64xf32>
    %convert_element_type3A = arith.truncf %slice3A : vector<5000x64xf32> to vector<5000x64xbf16>
    %bitcast_convert_type3A = tpu.bitcast %convert_element_type3A : vector<5000x64xbf16> -> vector<5000x64xi16>
    %convert_element_type3A_22 = arith.extui %bitcast_convert_type3A : vector<5000x64xi16> to vector<5000x64xi32>
    %slice3A_23 = vector.extract_strided_slice %max3A_11 {offsets = [0, 64], sizes = [5000, 64], strides = [1, 1]} : vector<5000x128xf32> to vector<5000x64xf32>
    %convert_element_type3A_24 = arith.truncf %slice3A_23 : vector<5000x64xf32> to vector<5000x64xbf16>
    %bitcast_convert_type3A_25 = tpu.bitcast %convert_element_type3A_24 : vector<5000x64xbf16> -> vector<5000x64xi16>
    %convert_element_type3A_26 = arith.extui %bitcast_convert_type3A_25 : vector<5000x64xi16> to vector<5000x64xi32>
    %shift_left3A = arith.constant 16 : i32
    %shift_left3A_27 = vector.broadcast %shift_left3A : i32 to vector<5000x64xi32>
    %shift_left3A_28 = arith.shli %convert_element_type3A_26, %shift_left3A_27 : vector<5000x64xi32>
    %or3A = arith.ori %convert_element_type3A_22, %shift_left3A_28 : vector<5000x64xi32>
    %bitcast_convert_type3A_29 = tpu.bitcast %or3A : vector<5000x64xi32> -> vector<5000x64xf32>
    %slice3A_30 = vector.extract_strided_slice %max3A_21 {offsets = [0, 0], sizes = [5000, 64], strides = [1, 1]} : vector<5000x128xf32> to vector<5000x64xf32>
    %convert_element_type3A_31 = arith.truncf %slice3A_30 : vector<5000x64xf32> to vector<5000x64xbf16>
    %bitcast_convert_type3A_32 = tpu.bitcast %convert_element_type3A_31 : vector<5000x64xbf16> -> vector<5000x64xi16>
    %convert_element_type3A_33 = arith.extui %bitcast_convert_type3A_32 : vector<5000x64xi16> to vector<5000x64xi32>
    %slice3A_34 = vector.extract_strided_slice %max3A_21 {offsets = [0, 64], sizes = [5000, 64], strides = [1, 1]} : vector<5000x128xf32> to vector<5000x64xf32>
    %convert_element_type3A_35 = arith.truncf %slice3A_34 : vector<5000x64xf32> to vector<5000x64xbf16>
    %bitcast_convert_type3A_36 = tpu.bitcast %convert_element_type3A_35 : vector<5000x64xbf16> -> vector<5000x64xi16>
    %convert_element_type3A_37 = arith.extui %bitcast_convert_type3A_36 : vector<5000x64xi16> to vector<5000x64xi32>
    %shift_left3A_38 = arith.constant 16 : i32
    %shift_left3A_39 = vector.broadcast %shift_left3A_38 : i32 to vector<5000x64xi32>
    %shift_left3A_40 = arith.shli %convert_element_type3A_37, %shift_left3A_39 : vector<5000x64xi32>
    %or3A_41 = arith.ori %convert_element_type3A_33, %shift_left3A_40 : vector<5000x64xi32>
    %bitcast_convert_type3A_42 = tpu.bitcast %or3A_41 : vector<5000x64xi32> -> vector<5000x64xf32>
    %concatenate3A = tpu.concatenate %bitcast_convert_type3A_29, %bitcast_convert_type3A_42 in 1 : vector<5000x64xf32>, vector<5000x64xf32> -> vector<5000x128xf32>
    %swap3A = arith.constant 0 : index
    %swap3A_43 = arith.constant 0 : index
    %swap3A_44 = vector.load %arg5[%swap3A, %swap3A_43] : memref<5000x128xf32, #tpu.memory_space<vmem>>, vector<5000x128xf32>
    tpu.vector_store %arg5[%swap3A, %swap3A_43], %concatenate3A {strides = array<i32>} : memref<5000x128xf32, #tpu.memory_space<vmem>>, vector<5000x128xf32>,
    return
  }
  func.func @transform_0(%arg0: i32) -> (i32, i32) {
    %c0_i32 = arith.constant 0 : i32
    %c0_i32_0 = arith.constant 0 : i32
    return %arg0, %c0_i32 : i32, i32
  }
  func.func @transform_1(%arg0: i32) -> (i32, i32) {
    %add3A = arith.constant 5 : i32
    %add3A_0 = arith.addi %arg0, %add3A : i32
    %c0_i32 = arith.constant 0 : i32
    %c0_i32_1 = arith.constant 0 : i32
    return %add3A_0, %c0_i32 : i32, i32
  }
  func.func @transform_2(%arg0: i32) -> (i32, i32) {
    %c0_i32 = arith.constant 0 : i32
    %c0_i32_0 = arith.constant 0 : i32
    %c0_i32_1 = arith.constant 0 : i32
    return %c0_i32, %c0_i32_0 : i32, i32
  }
  func.func @transform_3(%arg0: i32) -> (i32, i32) {
    %c0_i32 = arith.constant 0 : i32
    %c0_i32_0 = arith.constant 0 : i32
    %c0_i32_1 = arith.constant 0 : i32
    return %c0_i32, %c0_i32_0 : i32, i32
  }
  func.func @transform_4(%arg0: i32) -> (i32, i32) {
    %c0_i32 = arith.constant 0 : i32
    %c0_i32_0 = arith.constant 0 : i32
    return %arg0, %c0_i32 : i32, i32
  }
}

module attributes {stable_mosaic.version = 14 : i64} {
  func.func @_mm_body(%arg0: i32, %arg1: memref<1000x128xf32, #tpu.memory_space<vmem>>, %arg2: memref<1000x128xf32, #tpu.memory_space<vmem>>, %arg3: memref<1000x128xf32, #tpu.memory_space<vmem>>, %arg4: memref<1000x128xf32, #tpu.memory_space<vmem>>, %arg5: memref<1000x128xf32, #tpu.memory_space<vmem>>, %arg6: memref<1000x128xf32, #tpu.memory_space<vmem>>, %arg7: memref<1000x128xf32, #tpu.memory_space<vmem>>, %arg8: memref<1000x128xf32, #tpu.memory_space<vmem>>, %arg9: memref<1000x128xf32, #tpu.memory_space<vmem>>, %arg10: memref<9x256x256xbf16, #tpu.memory_space<vmem>>, %arg11: memref<1x256xf32, #tpu.memory_space<vmem>>, %arg12: memref<2000x128xf32, #tpu.memory_space<vmem>>) attributes {dimension_semantics = [#tpu.dimension_semantics<arbitrary>], iteration_bounds = array<i64: 25>, scalar_prefetch = 0 : i64, scratch_operands = 0 : i64, tpu.core_type = #tpu.core_type<tc>, window_params = [{transform_indices = @transform_0, window_bounds = array<i64: 1000, 128>}, {transform_indices = @transform_1, window_bounds = array<i64: 1000, 128>}, {transform_indices = @transform_2, window_bounds = array<i64: 1000, 128>}, {transform_indices = @transform_3, window_bounds = array<i64: 1000, 128>}, {transform_indices = @transform_4, window_bounds = array<i64: 1000, 128>}, {transform_indices = @transform_5, window_bounds = array<i64: 1000, 128>}, {transform_indices = @transform_6, window_bounds = array<i64: 1000, 128>}, {transform_indices = @transform_7, window_bounds = array<i64: 1000, 128>}, {transform_indices = @transform_8, window_bounds = array<i64: 1000, 128>}, {pipeline_mode = #tpu.pipeline_mode<synchronous>, transform_indices = @transform_9, window_bounds = array<i64: 9, 256, 256>}, {pipeline_mode = #tpu.pipeline_mode<synchronous>, transform_indices = @transform_10, window_bounds = array<i64: 1, 256>}, {transform_indices = @transform_11, window_bounds = array<i64: 2000, 128>}]} {
    %get3A = arith.constant 0 : index
    %get3A_0 = arith.constant 0 : index
    %get3A_1 = vector.load %arg11[%get3A, %get3A_0] : memref<1x256xf32, #tpu.memory_space<vmem>>, vector<1x256xf32>
    %broadcast_in_dim3A = vector.shape_cast %get3A_1 : vector<1x256xf32> to vector<1x256xf32>
    %broadcast_in_dim3A_2 = vector.broadcast %broadcast_in_dim3A : vector<1x256xf32> to vector<1000x256xf32>
    %get3A_3 = arith.constant 0 : index
    %get3A_4 = arith.constant 0 : index
    %get3A_5 = vector.load %arg1[%get3A_3, %get3A_4] : memref<1000x128xf32, #tpu.memory_space<vmem>>, vector<1000x128xf32>
    %bitcast_convert_type3A = tpu.bitcast %get3A_5 : vector<1000x128xf32> -> vector<1000x128xi32>
    %and3A = arith.constant 65535 : i32
    %and3A_6 = vector.broadcast %and3A : i32 to vector<1000x128xi32>
    %and3A_7 = arith.andi %bitcast_convert_type3A, %and3A_6 : vector<1000x128xi32>
    %convert_element_type3A = arith.trunci %and3A_7 : vector<1000x128xi32> to vector<1000x128xi16>
    %bitcast_convert_type3A_8 = tpu.bitcast %convert_element_type3A : vector<1000x128xi16> -> vector<1000x128xbf16>
    %shift_right_logical3A = arith.constant 16 : i32
    %shift_right_logical3A_9 = vector.broadcast %shift_right_logical3A : i32 to vector<1000x128xi32>
    %shift_right_logical3A_10 = arith.shrui %bitcast_convert_type3A, %shift_right_logical3A_9 : vector<1000x128xi32>
    %convert_element_type3A_11 = arith.trunci %shift_right_logical3A_10 : vector<1000x128xi32> to vector<1000x128xi16>
    %bitcast_convert_type3A_12 = tpu.bitcast %convert_element_type3A_11 : vector<1000x128xi16> -> vector<1000x128xbf16>
    %concatenate3A = tpu.concatenate %bitcast_convert_type3A_8, %bitcast_convert_type3A_12 in 1 : vector<1000x128xbf16>, vector<1000x128xbf16> -> vector<1000x256xbf16>
    %get3A_13 = arith.constant 0 : index
    %get3A_14 = arith.constant 0 : index
    %get3A_15 = arith.constant 0 : index
    %get3A_16 = vector.load %arg10[%get3A_13, %get3A_14, %get3A_15] : memref<9x256x256xbf16, #tpu.memory_space<vmem>>, vector<1x256x256xbf16>
    %get3A_17 = vector.shape_cast %get3A_16 : vector<1x256x256xbf16> to vector<256x256xbf16>
    %dot_general3A = arith.constant dense<0.000000e+00> : vector<1000x256xf32>
    %dot_general3A_18 = tpu.matmul %concatenate3A, %get3A_17, %dot_general3A {dimension_numbers = #tpu.dot_dimension_numbers<[1], [0], [0], [1], [0, 0, 1, 1], [], []>, transpose_lhs_hint = false} : vector<1000x256xbf16>, vector<256x256xbf16>, vector<1000x256xf32> -> vector<1000x256xf32>
    %add3A = arith.addf %broadcast_in_dim3A_2, %dot_general3A_18 : vector<1000x256xf32>
    %get3A_19 = arith.constant 0 : index
    %get3A_20 = arith.constant 0 : index
    %get3A_21 = vector.load %arg2[%get3A_19, %get3A_20] : memref<1000x128xf32, #tpu.memory_space<vmem>>, vector<1000x128xf32>
    %bitcast_convert_type3A_22 = tpu.bitcast %get3A_21 : vector<1000x128xf32> -> vector<1000x128xi32>
    %and3A_23 = arith.constant 65535 : i32
    %and3A_24 = vector.broadcast %and3A_23 : i32 to vector<1000x128xi32>
    %and3A_25 = arith.andi %bitcast_convert_type3A_22, %and3A_24 : vector<1000x128xi32>
    %convert_element_type3A_26 = arith.trunci %and3A_25 : vector<1000x128xi32> to vector<1000x128xi16>
    %bitcast_convert_type3A_27 = tpu.bitcast %convert_element_type3A_26 : vector<1000x128xi16> -> vector<1000x128xbf16>
    %shift_right_logical3A_28 = arith.constant 16 : i32
    %shift_right_logical3A_29 = vector.broadcast %shift_right_logical3A_28 : i32 to vector<1000x128xi32>
    %shift_right_logical3A_30 = arith.shrui %bitcast_convert_type3A_22, %shift_right_logical3A_29 : vector<1000x128xi32>
    %convert_element_type3A_31 = arith.trunci %shift_right_logical3A_30 : vector<1000x128xi32> to vector<1000x128xi16>
    %bitcast_convert_type3A_32 = tpu.bitcast %convert_element_type3A_31 : vector<1000x128xi16> -> vector<1000x128xbf16>
    %concatenate3A_33 = tpu.concatenate %bitcast_convert_type3A_27, %bitcast_convert_type3A_32 in 1 : vector<1000x128xbf16>, vector<1000x128xbf16> -> vector<1000x256xbf16>
    %get3A_34 = arith.constant 1 : index
    %get3A_35 = arith.constant 0 : index
    %get3A_36 = arith.constant 0 : index
    %get3A_37 = vector.load %arg10[%get3A_34, %get3A_35, %get3A_36] : memref<9x256x256xbf16, #tpu.memory_space<vmem>>, vector<1x256x256xbf16>
    %get3A_38 = vector.shape_cast %get3A_37 : vector<1x256x256xbf16> to vector<256x256xbf16>
    %dot_general3A_39 = arith.constant dense<0.000000e+00> : vector<1000x256xf32>
    %dot_general3A_40 = tpu.matmul %concatenate3A_33, %get3A_38, %dot_general3A_39 {dimension_numbers = #tpu.dot_dimension_numbers<[1], [0], [0], [1], [0, 0, 1, 1], [], []>, transpose_lhs_hint = false} : vector<1000x256xbf16>, vector<256x256xbf16>, vector<1000x256xf32> -> vector<1000x256xf32>
    %add3A_41 = arith.addf %add3A, %dot_general3A_40 : vector<1000x256xf32>
    %get3A_42 = arith.constant 0 : index
    %get3A_43 = arith.constant 0 : index
    %get3A_44 = vector.load %arg3[%get3A_42, %get3A_43] : memref<1000x128xf32, #tpu.memory_space<vmem>>, vector<1000x128xf32>
    %bitcast_convert_type3A_45 = tpu.bitcast %get3A_44 : vector<1000x128xf32> -> vector<1000x128xi32>
    %and3A_46 = arith.constant 65535 : i32
    %and3A_47 = vector.broadcast %and3A_46 : i32 to vector<1000x128xi32>
    %and3A_48 = arith.andi %bitcast_convert_type3A_45, %and3A_47 : vector<1000x128xi32>
    %convert_element_type3A_49 = arith.trunci %and3A_48 : vector<1000x128xi32> to vector<1000x128xi16>
    %bitcast_convert_type3A_50 = tpu.bitcast %convert_element_type3A_49 : vector<1000x128xi16> -> vector<1000x128xbf16>
    %shift_right_logical3A_51 = arith.constant 16 : i32
    %shift_right_logical3A_52 = vector.broadcast %shift_right_logical3A_51 : i32 to vector<1000x128xi32>
    %shift_right_logical3A_53 = arith.shrui %bitcast_convert_type3A_45, %shift_right_logical3A_52 : vector<1000x128xi32>
    %convert_element_type3A_54 = arith.trunci %shift_right_logical3A_53 : vector<1000x128xi32> to vector<1000x128xi16>
    %bitcast_convert_type3A_55 = tpu.bitcast %convert_element_type3A_54 : vector<1000x128xi16> -> vector<1000x128xbf16>
    %concatenate3A_56 = tpu.concatenate %bitcast_convert_type3A_50, %bitcast_convert_type3A_55 in 1 : vector<1000x128xbf16>, vector<1000x128xbf16> -> vector<1000x256xbf16>
    %get3A_57 = arith.constant 2 : index
    %get3A_58 = arith.constant 0 : index
    %get3A_59 = arith.constant 0 : index
    %get3A_60 = vector.load %arg10[%get3A_57, %get3A_58, %get3A_59] : memref<9x256x256xbf16, #tpu.memory_space<vmem>>, vector<1x256x256xbf16>
    %get3A_61 = vector.shape_cast %get3A_60 : vector<1x256x256xbf16> to vector<256x256xbf16>
    %dot_general3A_62 = arith.constant dense<0.000000e+00> : vector<1000x256xf32>
    %dot_general3A_63 = tpu.matmul %concatenate3A_56, %get3A_61, %dot_general3A_62 {dimension_numbers = #tpu.dot_dimension_numbers<[1], [0], [0], [1], [0, 0, 1, 1], [], []>, transpose_lhs_hint = false} : vector<1000x256xbf16>, vector<256x256xbf16>, vector<1000x256xf32> -> vector<1000x256xf32>
    %add3A_64 = arith.addf %add3A_41, %dot_general3A_63 : vector<1000x256xf32>
    %get3A_65 = arith.constant 0 : index
    %get3A_66 = arith.constant 0 : index
    %get3A_67 = vector.load %arg4[%get3A_65, %get3A_66] : memref<1000x128xf32, #tpu.memory_space<vmem>>, vector<1000x128xf32>
    %bitcast_convert_type3A_68 = tpu.bitcast %get3A_67 : vector<1000x128xf32> -> vector<1000x128xi32>
    %and3A_69 = arith.constant 65535 : i32
    %and3A_70 = vector.broadcast %and3A_69 : i32 to vector<1000x128xi32>
    %and3A_71 = arith.andi %bitcast_convert_type3A_68, %and3A_70 : vector<1000x128xi32>
    %convert_element_type3A_72 = arith.trunci %and3A_71 : vector<1000x128xi32> to vector<1000x128xi16>
    %bitcast_convert_type3A_73 = tpu.bitcast %convert_element_type3A_72 : vector<1000x128xi16> -> vector<1000x128xbf16>
    %shift_right_logical3A_74 = arith.constant 16 : i32
    %shift_right_logical3A_75 = vector.broadcast %shift_right_logical3A_74 : i32 to vector<1000x128xi32>
    %shift_right_logical3A_76 = arith.shrui %bitcast_convert_type3A_68, %shift_right_logical3A_75 : vector<1000x128xi32>
    %convert_element_type3A_77 = arith.trunci %shift_right_logical3A_76 : vector<1000x128xi32> to vector<1000x128xi16>
    %bitcast_convert_type3A_78 = tpu.bitcast %convert_element_type3A_77 : vector<1000x128xi16> -> vector<1000x128xbf16>
    %concatenate3A_79 = tpu.concatenate %bitcast_convert_type3A_73, %bitcast_convert_type3A_78 in 1 : vector<1000x128xbf16>, vector<1000x128xbf16> -> vector<1000x256xbf16>
    %get3A_80 = arith.constant 3 : index
    %get3A_81 = arith.constant 0 : index
    %get3A_82 = arith.constant 0 : index
    %get3A_83 = vector.load %arg10[%get3A_80, %get3A_81, %get3A_82] : memref<9x256x256xbf16, #tpu.memory_space<vmem>>, vector<1x256x256xbf16>
    %get3A_84 = vector.shape_cast %get3A_83 : vector<1x256x256xbf16> to vector<256x256xbf16>
    %dot_general3A_85 = arith.constant dense<0.000000e+00> : vector<1000x256xf32>
    %dot_general3A_86 = tpu.matmul %concatenate3A_79, %get3A_84, %dot_general3A_85 {dimension_numbers = #tpu.dot_dimension_numbers<[1], [0], [0], [1], [0, 0, 1, 1], [], []>, transpose_lhs_hint = false} : vector<1000x256xbf16>, vector<256x256xbf16>, vector<1000x256xf32> -> vector<1000x256xf32>
    %add3A_87 = arith.addf %add3A_64, %dot_general3A_86 : vector<1000x256xf32>
    %get3A_88 = arith.constant 0 : index
    %get3A_89 = arith.constant 0 : index
    %get3A_90 = vector.load %arg5[%get3A_88, %get3A_89] : memref<1000x128xf32, #tpu.memory_space<vmem>>, vector<1000x128xf32>
    %bitcast_convert_type3A_91 = tpu.bitcast %get3A_90 : vector<1000x128xf32> -> vector<1000x128xi32>
    %and3A_92 = arith.constant 65535 : i32
    %and3A_93 = vector.broadcast %and3A_92 : i32 to vector<1000x128xi32>
    %and3A_94 = arith.andi %bitcast_convert_type3A_91, %and3A_93 : vector<1000x128xi32>
    %convert_element_type3A_95 = arith.trunci %and3A_94 : vector<1000x128xi32> to vector<1000x128xi16>
    %bitcast_convert_type3A_96 = tpu.bitcast %convert_element_type3A_95 : vector<1000x128xi16> -> vector<1000x128xbf16>
    %shift_right_logical3A_97 = arith.constant 16 : i32
    %shift_right_logical3A_98 = vector.broadcast %shift_right_logical3A_97 : i32 to vector<1000x128xi32>
    %shift_right_logical3A_99 = arith.shrui %bitcast_convert_type3A_91, %shift_right_logical3A_98 : vector<1000x128xi32>
    %convert_element_type3A_100 = arith.trunci %shift_right_logical3A_99 : vector<1000x128xi32> to vector<1000x128xi16>
    %bitcast_convert_type3A_101 = tpu.bitcast %convert_element_type3A_100 : vector<1000x128xi16> -> vector<1000x128xbf16>
    %concatenate3A_102 = tpu.concatenate %bitcast_convert_type3A_96, %bitcast_convert_type3A_101 in 1 : vector<1000x128xbf16>, vector<1000x128xbf16> -> vector<1000x256xbf16>
    %get3A_103 = arith.constant 4 : index
    %get3A_104 = arith.constant 0 : index
    %get3A_105 = arith.constant 0 : index
    %get3A_106 = vector.load %arg10[%get3A_103, %get3A_104, %get3A_105] : memref<9x256x256xbf16, #tpu.memory_space<vmem>>, vector<1x256x256xbf16>
    %get3A_107 = vector.shape_cast %get3A_106 : vector<1x256x256xbf16> to vector<256x256xbf16>
    %dot_general3A_108 = arith.constant dense<0.000000e+00> : vector<1000x256xf32>
    %dot_general3A_109 = tpu.matmul %concatenate3A_102, %get3A_107, %dot_general3A_108 {dimension_numbers = #tpu.dot_dimension_numbers<[1], [0], [0], [1], [0, 0, 1, 1], [], []>, transpose_lhs_hint = false} : vector<1000x256xbf16>, vector<256x256xbf16>, vector<1000x256xf32> -> vector<1000x256xf32>
    %add3A_110 = arith.addf %add3A_87, %dot_general3A_109 : vector<1000x256xf32>
    %get3A_111 = arith.constant 0 : index
    %get3A_112 = arith.constant 0 : index
    %get3A_113 = vector.load %arg6[%get3A_111, %get3A_112] : memref<1000x128xf32, #tpu.memory_space<vmem>>, vector<1000x128xf32>
    %bitcast_convert_type3A_114 = tpu.bitcast %get3A_113 : vector<1000x128xf32> -> vector<1000x128xi32>
    %and3A_115 = arith.constant 65535 : i32
    %and3A_116 = vector.broadcast %and3A_115 : i32 to vector<1000x128xi32>
    %and3A_117 = arith.andi %bitcast_convert_type3A_114, %and3A_116 : vector<1000x128xi32>
    %convert_element_type3A_118 = arith.trunci %and3A_117 : vector<1000x128xi32> to vector<1000x128xi16>
    %bitcast_convert_type3A_119 = tpu.bitcast %convert_element_type3A_118 : vector<1000x128xi16> -> vector<1000x128xbf16>
    %shift_right_logical3A_120 = arith.constant 16 : i32
    %shift_right_logical3A_121 = vector.broadcast %shift_right_logical3A_120 : i32 to vector<1000x128xi32>
    %shift_right_logical3A_122 = arith.shrui %bitcast_convert_type3A_114, %shift_right_logical3A_121 : vector<1000x128xi32>
    %convert_element_type3A_123 = arith.trunci %shift_right_logical3A_122 : vector<1000x128xi32> to vector<1000x128xi16>
    %bitcast_convert_type3A_124 = tpu.bitcast %convert_element_type3A_123 : vector<1000x128xi16> -> vector<1000x128xbf16>
    %concatenate3A_125 = tpu.concatenate %bitcast_convert_type3A_119, %bitcast_convert_type3A_124 in 1 : vector<1000x128xbf16>, vector<1000x128xbf16> -> vector<1000x256xbf16>
    %get3A_126 = arith.constant 5 : index
    %get3A_127 = arith.constant 0 : index
    %get3A_128 = arith.constant 0 : index
    %get3A_129 = vector.load %arg10[%get3A_126, %get3A_127, %get3A_128] : memref<9x256x256xbf16, #tpu.memory_space<vmem>>, vector<1x256x256xbf16>
    %get3A_130 = vector.shape_cast %get3A_129 : vector<1x256x256xbf16> to vector<256x256xbf16>
    %dot_general3A_131 = arith.constant dense<0.000000e+00> : vector<1000x256xf32>
    %dot_general3A_132 = tpu.matmul %concatenate3A_125, %get3A_130, %dot_general3A_131 {dimension_numbers = #tpu.dot_dimension_numbers<[1], [0], [0], [1], [0, 0, 1, 1], [], []>, transpose_lhs_hint = false} : vector<1000x256xbf16>, vector<256x256xbf16>, vector<1000x256xf32> -> vector<1000x256xf32>
    %add3A_133 = arith.addf %add3A_110, %dot_general3A_132 : vector<1000x256xf32>
    %get3A_134 = arith.constant 0 : index
    %get3A_135 = arith.constant 0 : index
    %get3A_136 = vector.load %arg7[%get3A_134, %get3A_135] : memref<1000x128xf32, #tpu.memory_space<vmem>>, vector<1000x128xf32>
    %bitcast_convert_type3A_137 = tpu.bitcast %get3A_136 : vector<1000x128xf32> -> vector<1000x128xi32>
    %and3A_138 = arith.constant 65535 : i32
    %and3A_139 = vector.broadcast %and3A_138 : i32 to vector<1000x128xi32>
    %and3A_140 = arith.andi %bitcast_convert_type3A_137, %and3A_139 : vector<1000x128xi32>
    %convert_element_type3A_141 = arith.trunci %and3A_140 : vector<1000x128xi32> to vector<1000x128xi16>
    %bitcast_convert_type3A_142 = tpu.bitcast %convert_element_type3A_141 : vector<1000x128xi16> -> vector<1000x128xbf16>
    %shift_right_logical3A_143 = arith.constant 16 : i32
    %shift_right_logical3A_144 = vector.broadcast %shift_right_logical3A_143 : i32 to vector<1000x128xi32>
    %shift_right_logical3A_145 = arith.shrui %bitcast_convert_type3A_137, %shift_right_logical3A_144 : vector<1000x128xi32>
    %convert_element_type3A_146 = arith.trunci %shift_right_logical3A_145 : vector<1000x128xi32> to vector<1000x128xi16>
    %bitcast_convert_type3A_147 = tpu.bitcast %convert_element_type3A_146 : vector<1000x128xi16> -> vector<1000x128xbf16>
    %concatenate3A_148 = tpu.concatenate %bitcast_convert_type3A_142, %bitcast_convert_type3A_147 in 1 : vector<1000x128xbf16>, vector<1000x128xbf16> -> vector<1000x256xbf16>
    %get3A_149 = arith.constant 6 : index
    %get3A_150 = arith.constant 0 : index
    %get3A_151 = arith.constant 0 : index
    %get3A_152 = vector.load %arg10[%get3A_149, %get3A_150, %get3A_151] : memref<9x256x256xbf16, #tpu.memory_space<vmem>>, vector<1x256x256xbf16>
    %get3A_153 = vector.shape_cast %get3A_152 : vector<1x256x256xbf16> to vector<256x256xbf16>
    %dot_general3A_154 = arith.constant dense<0.000000e+00> : vector<1000x256xf32>
    %dot_general3A_155 = tpu.matmul %concatenate3A_148, %get3A_153, %dot_general3A_154 {dimension_numbers = #tpu.dot_dimension_numbers<[1], [0], [0], [1], [0, 0, 1, 1], [], []>, transpose_lhs_hint = false} : vector<1000x256xbf16>, vector<256x256xbf16>, vector<1000x256xf32> -> vector<1000x256xf32>
    %add3A_156 = arith.addf %add3A_133, %dot_general3A_155 : vector<1000x256xf32>
    %get3A_157 = arith.constant 0 : index
    %get3A_158 = arith.constant 0 : index
    %get3A_159 = vector.load %arg8[%get3A_157, %get3A_158] : memref<1000x128xf32, #tpu.memory_space<vmem>>, vector<1000x128xf32>
    %bitcast_convert_type3A_160 = tpu.bitcast %get3A_159 : vector<1000x128xf32> -> vector<1000x128xi32>
    %and3A_161 = arith.constant 65535 : i32
    %and3A_162 = vector.broadcast %and3A_161 : i32 to vector<1000x128xi32>
    %and3A_163 = arith.andi %bitcast_convert_type3A_160, %and3A_162 : vector<1000x128xi32>
    %convert_element_type3A_164 = arith.trunci %and3A_163 : vector<1000x128xi32> to vector<1000x128xi16>
    %bitcast_convert_type3A_165 = tpu.bitcast %convert_element_type3A_164 : vector<1000x128xi16> -> vector<1000x128xbf16>
    %shift_right_logical3A_166 = arith.constant 16 : i32
    %shift_right_logical3A_167 = vector.broadcast %shift_right_logical3A_166 : i32 to vector<1000x128xi32>
    %shift_right_logical3A_168 = arith.shrui %bitcast_convert_type3A_160, %shift_right_logical3A_167 : vector<1000x128xi32>
    %convert_element_type3A_169 = arith.trunci %shift_right_logical3A_168 : vector<1000x128xi32> to vector<1000x128xi16>
    %bitcast_convert_type3A_170 = tpu.bitcast %convert_element_type3A_169 : vector<1000x128xi16> -> vector<1000x128xbf16>
    %concatenate3A_171 = tpu.concatenate %bitcast_convert_type3A_165, %bitcast_convert_type3A_170 in 1 : vector<1000x128xbf16>, vector<1000x128xbf16> -> vector<1000x256xbf16>
    %get3A_172 = arith.constant 7 : index
    %get3A_173 = arith.constant 0 : index
    %get3A_174 = arith.constant 0 : index
    %get3A_175 = vector.load %arg10[%get3A_172, %get3A_173, %get3A_174] : memref<9x256x256xbf16, #tpu.memory_space<vmem>>, vector<1x256x256xbf16>
    %get3A_176 = vector.shape_cast %get3A_175 : vector<1x256x256xbf16> to vector<256x256xbf16>
    %dot_general3A_177 = arith.constant dense<0.000000e+00> : vector<1000x256xf32>
    %dot_general3A_178 = tpu.matmul %concatenate3A_171, %get3A_176, %dot_general3A_177 {dimension_numbers = #tpu.dot_dimension_numbers<[1], [0], [0], [1], [0, 0, 1, 1], [], []>, transpose_lhs_hint = false} : vector<1000x256xbf16>, vector<256x256xbf16>, vector<1000x256xf32> -> vector<1000x256xf32>
    %add3A_179 = arith.addf %add3A_156, %dot_general3A_178 : vector<1000x256xf32>
    %get3A_180 = arith.constant 0 : index
    %get3A_181 = arith.constant 0 : index
    %get3A_182 = vector.load %arg9[%get3A_180, %get3A_181] : memref<1000x128xf32, #tpu.memory_space<vmem>>, vector<1000x128xf32>
    %bitcast_convert_type3A_183 = tpu.bitcast %get3A_182 : vector<1000x128xf32> -> vector<1000x128xi32>
    %and3A_184 = arith.constant 65535 : i32
    %and3A_185 = vector.broadcast %and3A_184 : i32 to vector<1000x128xi32>
    %and3A_186 = arith.andi %bitcast_convert_type3A_183, %and3A_185 : vector<1000x128xi32>
    %convert_element_type3A_187 = arith.trunci %and3A_186 : vector<1000x128xi32> to vector<1000x128xi16>
    %bitcast_convert_type3A_188 = tpu.bitcast %convert_element_type3A_187 : vector<1000x128xi16> -> vector<1000x128xbf16>
    %shift_right_logical3A_189 = arith.constant 16 : i32
    %shift_right_logical3A_190 = vector.broadcast %shift_right_logical3A_189 : i32 to vector<1000x128xi32>
    %shift_right_logical3A_191 = arith.shrui %bitcast_convert_type3A_183, %shift_right_logical3A_190 : vector<1000x128xi32>
    %convert_element_type3A_192 = arith.trunci %shift_right_logical3A_191 : vector<1000x128xi32> to vector<1000x128xi16>
    %bitcast_convert_type3A_193 = tpu.bitcast %convert_element_type3A_192 : vector<1000x128xi16> -> vector<1000x128xbf16>
    %concatenate3A_194 = tpu.concatenate %bitcast_convert_type3A_188, %bitcast_convert_type3A_193 in 1 : vector<1000x128xbf16>, vector<1000x128xbf16> -> vector<1000x256xbf16>
    %get3A_195 = arith.constant 8 : index
    %get3A_196 = arith.constant 0 : index
    %get3A_197 = arith.constant 0 : index
    %get3A_198 = vector.load %arg10[%get3A_195, %get3A_196, %get3A_197] : memref<9x256x256xbf16, #tpu.memory_space<vmem>>, vector<1x256x256xbf16>
    %get3A_199 = vector.shape_cast %get3A_198 : vector<1x256x256xbf16> to vector<256x256xbf16>
    %dot_general3A_200 = arith.constant dense<0.000000e+00> : vector<1000x256xf32>
    %dot_general3A_201 = tpu.matmul %concatenate3A_194, %get3A_199, %dot_general3A_200 {dimension_numbers = #tpu.dot_dimension_numbers<[1], [0], [0], [1], [0, 0, 1, 1], [], []>, transpose_lhs_hint = false} : vector<1000x256xbf16>, vector<256x256xbf16>, vector<1000x256xf32> -> vector<1000x256xf32>
    %add3A_202 = arith.addf %add3A_179, %dot_general3A_201 : vector<1000x256xf32>
    %reshape3A = vector.shape_cast %add3A_202 : vector<1000x256xf32> to vector<2000x128xf32>
    %swap3A = arith.constant 0 : index
    %swap3A_203 = arith.constant 0 : index
    %swap3A_204 = vector.load %arg12[%swap3A, %swap3A_203] : memref<2000x128xf32, #tpu.memory_space<vmem>>, vector<2000x128xf32>
    tpu.vector_store %arg12[%swap3A, %swap3A_203], %reshape3A {strides = array<i32>} : memref<2000x128xf32, #tpu.memory_space<vmem>>, vector<2000x128xf32>,
    return
  }
  func.func @transform_0(%arg0: i32) -> (i32, i32) {
    %add3A = arith.constant 0 : i32
    %add3A_0 = arith.addi %add3A, %arg0 : i32
    %c0_i32 = arith.constant 0 : i32
    %c0_i32_1 = arith.constant 0 : i32
    return %add3A_0, %c0_i32 : i32, i32
  }
  func.func @transform_1(%arg0: i32) -> (i32, i32) {
    %add3A = arith.constant 25 : i32
    %add3A_0 = arith.addi %add3A, %arg0 : i32
    %c0_i32 = arith.constant 0 : i32
    %c0_i32_1 = arith.constant 0 : i32
    return %add3A_0, %c0_i32 : i32, i32
  }
  func.func @transform_2(%arg0: i32) -> (i32, i32) {
    %add3A = arith.constant 50 : i32
    %add3A_0 = arith.addi %add3A, %arg0 : i32
    %c0_i32 = arith.constant 0 : i32
    %c0_i32_1 = arith.constant 0 : i32
    return %add3A_0, %c0_i32 : i32, i32
  }
  func.func @transform_3(%arg0: i32) -> (i32, i32) {
    %add3A = arith.constant 75 : i32
    %add3A_0 = arith.addi %add3A, %arg0 : i32
    %c0_i32 = arith.constant 0 : i32
    %c0_i32_1 = arith.constant 0 : i32
    return %add3A_0, %c0_i32 : i32, i32
  }
  func.func @transform_4(%arg0: i32) -> (i32, i32) {
    %add3A = arith.constant 100 : i32
    %add3A_0 = arith.addi %add3A, %arg0 : i32
    %c0_i32 = arith.constant 0 : i32
    %c0_i32_1 = arith.constant 0 : i32
    return %add3A_0, %c0_i32 : i32, i32
  }
  func.func @transform_5(%arg0: i32) -> (i32, i32) {
    %add3A = arith.constant 125 : i32
    %add3A_0 = arith.addi %add3A, %arg0 : i32
    %c0_i32 = arith.constant 0 : i32
    %c0_i32_1 = arith.constant 0 : i32
    return %add3A_0, %c0_i32 : i32, i32
  }
  func.func @transform_6(%arg0: i32) -> (i32, i32) {
    %add3A = arith.constant 150 : i32
    %add3A_0 = arith.addi %add3A, %arg0 : i32
    %c0_i32 = arith.constant 0 : i32
    %c0_i32_1 = arith.constant 0 : i32
    return %add3A_0, %c0_i32 : i32, i32
  }
  func.func @transform_7(%arg0: i32) -> (i32, i32) {
    %add3A = arith.constant 175 : i32
    %add3A_0 = arith.addi %add3A, %arg0 : i32
    %c0_i32 = arith.constant 0 : i32
    %c0_i32_1 = arith.constant 0 : i32
    return %add3A_0, %c0_i32 : i32, i32
  }
  func.func @transform_8(%arg0: i32) -> (i32, i32) {
    %add3A = arith.constant 200 : i32
    %add3A_0 = arith.addi %add3A, %arg0 : i32
    %c0_i32 = arith.constant 0 : i32
    %c0_i32_1 = arith.constant 0 : i32
    return %add3A_0, %c0_i32 : i32, i32
  }
  func.func @transform_9(%arg0: i32) -> (i32, i32, i32) {
    %c0_i32 = arith.constant 0 : i32
    %c0_i32_0 = arith.constant 0 : i32
    %c0_i32_1 = arith.constant 0 : i32
    %c0_i32_2 = arith.constant 0 : i32
    return %c0_i32, %c0_i32_0, %c0_i32_1 : i32, i32, i32
  }
  func.func @transform_10(%arg0: i32) -> (i32, i32) {
    %c0_i32 = arith.constant 0 : i32
    %c0_i32_0 = arith.constant 0 : i32
    %c0_i32_1 = arith.constant 0 : i32
    return %c0_i32, %c0_i32_0 : i32, i32
  }
  func.func @transform_11(%arg0: i32) -> (i32, i32) {
    %c0_i32 = arith.constant 0 : i32
    %c0_i32_0 = arith.constant 0 : i32
    return %arg0, %c0_i32 : i32, i32
  }
}

</mosaic_0001>

<sc_bundles>
// kernel: kernel.6.cloned.1.call-start
scs
__scs_entry_jumppad:
0x0: {  	(pc) =	sbr.rel $0x88, $3  }
0x1: {  	(tag) =	ssettag $0x0;
	lr =	simm.s32 $0x1  }
0x2: {  	[smem:$0x3F9B] =	sst lr;
	_ =	strace $0xD0000000  }
0x3: {  	_ = 	snop  }
0x4: {  	_ = 	snop  }
0x5: {  	_ = 	snop  }
0x6: {  	_ = 	snop  }
0x7: {  	_ = 	snop  }
__scs_overlays_trampoline_lowered:
0x8: {  	[smem:$0x3FAA] =	sst s0  }
0x9: {  	[smem:$0x3FAB] =	sst s1  }
0xa: {  	[smem:$0x3FAC] =	sst s2  }
0xb: {  	[smem:$0x3FAD] =	sst s3  }
0xc: {  	[smem:$0x3FAE] =	sst s4  }
0xd: {  	[smem:$0x3FAF] =	sst s5  }
0xe: {  	[smem:$0x3FB0] =	sst s6  }
0xf: {  	[smem:$0x3FB1] =	sst s7  }
0x10: {  	[smem:$0x3FB2] =	sst s8  }
0x11: {  	[smem:$0x3FB3] =	sst s9;
	s0 =	simm.s32 @!p0 $0x0  }
0x12: {  	s1 =	sld [smem:$0x3F99];
	s0 =	simm.s32 @p0 $0x1  }
0x13: {  	[smem:$0x3FB4] =	sst s0;
	s0 =	simm.s32 @!p1 $0x0  }
0x14: {  	s2 =	sld [smem:$0x3F98];
	s0 =	simm.s32 @p1 $0x1  }
0x15: {  	[smem:$0x3FB5] =	sst s0;
	s0 =	simm.s32 @!p2 $0x0  }
0x16: {  	s3 =	sld [smem:$0x3FDB];
	s0 =	simm.s32 @p2 $0x1  }
0x17: {  	s4 =	simm.s32 $0x1BF5;
	[smem:$0x3FB7] =	sst s0  }
0x18: {  	s0 =	sld [smem:$0x3F9A];
	_ =	swait.ge [sflag:s4], $0x0  }
0x19: {  	s7 =	sld [smem:$0x3F9B]  }
0x1a: {  	s8 =	sadd.s32 $0xFFFFE003, lr  }
0x1b: {  	s9 =	sadd.s32 $0xFFFFFEF7, lr;
	s5 =	simm.s32 $0xFFFFFFFF;
	p2 =	slt.u32 s8, $0xFFFFF086  }
0x1c: {  	p1 =	slt.u32 s9, $0xF7A;
	s5 =	simm.s32 @!p2 $0x0  }
0x1d: {  	s5 =	simm.s32 @p1 $0x1;
	p0 =	seq.s32 s7, s2  }
0x1e: {  	s7 =	smul.u32 @!p0 $0xF7A, s2;
	p2 =	seq.s32 @!p0 s5, $0x0  }
0x1f: {  	s9 =	smul.u32 $0xF7A, s1;
	s8 =	simm.s32 @!p0 $0x1BF5;
	p2 =	por !p2, p0  }
0x20: {  	[sflag:s8] =	ssyncset.s32 @!p0 $0xFFFFF086;
	s6 =	sadd.s32 @!p0 s3, s7;
	s7 =	simm.s32 @!p0 $0x108  }
0x21: {  	s3 =	sadd.s32 s3, s9;
	s6 =	sadd.s32 @!p0 $0x88, s6;
	s7 =	simm.s32 @p2 $0x1082  }
0x22: {  	[simem:s7], [sflag:s8] =	dma.local @!p0 [hbm:s6], $0xF7A  }
0x23: {  	s9 =	sor.u32 $0xD0000000, s2;
	s6 =	simm.s32 $0x108;
	_ =	swait.ge @!p0 [sflag:s8], $0x0  }
0x24: {  	s3 =	sadd.s32 $0x88, s3;
	s6 =	simm.s32 @!p1 $0x1082;
	[sflag:s4] =	ssyncset.s32 $0xFFFFF086  }
0x25: {  	[simem:s6], [sflag:s4] =	dma.local [hbm:s3], $0xF7A  }
0x26: {  	[smem:$0x3F9B] =	sst s1;
	(tag) =	ssettag s2;
	_ =	strace s9  }
0x27: {  	s1 =	sld [smem:$0x3FAB]  }
0x28: {  	s2 =	sld [smem:$0x3FAC]  }
0x29: {  	s4 =	sld [smem:$0x3FAE]  }
0x2a: {  	p0 =	seq.s32 s5, $0x0;
	s5 =	sld [smem:$0x3FAF]  }
0x2b: {  	s6 =	sld [smem:$0x3FB0]  }
0x2c: {  	s7 =	sld [smem:$0x3FB1]  }
0x2d: {  	s3 =	simm.s32 $0x108;
	s8 =	sld [smem:$0x3FB2]  }
0x2e: {  	s3 =	simm.s32 @!p0 $0x1082;
	s9 =	sld [smem:$0x3FB3]  }
0x2f: {  	lr =	sadd.s32 s0, s3;
	s0 =	sld [smem:$0x3FAA]  }
0x30: {  	s3 =	sld [smem:$0x3FAD]  }
0x31: {  	[smem:$0x3FB6] =	sst s10  }
0x32: {  	s10 =	sld [smem:$0x3FB4];
	_ =	sdelay $0x3  }
0x33: {  	p0 =	seq.s32 s10, $0x1;
	s10 =	sld [smem:$0x3FB6];
	_ =	sdelay $0x3  }
0x34: {  	[smem:$0x3FB6] =	sst s10  }
0x35: {  	s10 =	sld [smem:$0x3FB5];
	_ =	sdelay $0x3  }
0x36: {  	p1 =	seq.s32 s10, $0x1;
	s10 =	sld [smem:$0x3FB6];
	_ =	sdelay $0x3  }
0x37: {  	[smem:$0x3FB6] =	sst s10  }
0x38: {  	s10 =	sld [smem:$0x3FB7]  }
0x39: {  	_ = 	snop;
	(pc) =	sbr.ind lr, $3  }
0x3a: {  	_ = 	snop  }
0x3b: {  	_ = 	snop  }
0x3c: {  	p2 =	seq.s32 s10, $0x1;
	s10 =	sld [smem:$0x3FB6]  }
0x3d: {  	_ =	shalt  }
0x3e: {  	_ =	shalt  }
0x3f: {  	_ =	shalt  }
0x40: {  	_ =	shalt  }
0x41: {  	_ =	shalt  }
0x42: {  	_ =	shalt  }
0x43: {  	_ =	shalt  }
0x44: {  	_ =	shalt  }
0x45: {  	_ =	shalt  }
0x46: {  	_ =	shalt  }
0x47: {  	_ =	shalt  }
0x48: {  	_ =	shalt  }
0x49: {  	_ =	shalt  }
0x4a: {  	_ =	shalt  }
0x4b: {  	_ =	shalt  }
0x4c: {  	_ =	shalt  }
0x4d: {  	_ =	shalt  }
0x4e: {  	_ =	shalt  }
0x4f: {  	_ =	shalt  }
0x50: {  	_ =	shalt  }
0x51: {  	_ =	shalt  }
0x52: {  	_ =	shalt  }
0x53: {  	_ =	shalt  }
0x54: {  	_ =	shalt  }
0x55: {  	_ =	shalt  }
0x56: {  	_ =	shalt  }
0x57: {  	_ =	shalt  }
0x58: {  	_ =	shalt  }
0x59: {  	_ =	shalt  }
0x5a: {  	_ =	shalt  }
0x5b: {  	_ =	shalt  }
0x5c: {  	_ =	shalt  }
0x5d: {  	_ =	shalt  }
0x5e: {  	_ =	shalt  }
0x5f: {  	_ =	shalt  }
0x60: {  	_ =	shalt  }
0x61: {  	_ =	shalt  }
0x62: {  	_ =	shalt  }
0x63: {  	_ =	shalt  }
0x64: {  	_ =	shalt  }
0x65: {  	_ =	shalt  }
0x66: {  	_ =	shalt  }
0x67: {  	_ =	shalt  }
0x68: {  	_ =	shalt  }
0x69: {  	_ =	shalt  }
0x6a: {  	_ =	shalt  }
0x6b: {  	_ =	shalt  }
0x6c: {  	_ =	shalt  }
0x6d: {  	_ =	shalt  }
0x6e: {  	_ =	shalt  }
0x6f: {  	_ =	shalt  }
0x70: {  	_ =	shalt  }
0x71: {  	_ =	shalt  }
0x72: {  	_ =	shalt  }
0x73: {  	_ =	shalt  }
0x74: {  	_ =	shalt  }
0x75: {  	_ =	shalt  }
0x76: {  	_ =	shalt  }
0x77: {  	_ =	shalt  }
0x78: {  	_ =	shalt  }
0x79: {  	_ =	shalt  }
0x7a: {  	_ =	shalt  }
0x7b: {  	_ =	shalt  }
0x7c: {  	_ =	shalt  }
0x7d: {  	_ =	shalt  }
0x7e: {  	_ =	shalt  }
0x7f: {  	_ =	shalt  }
0x80: {  	_ =	shalt  }
0x81: {  	_ =	shalt  }
0x82: {  	_ =	shalt  }
0x83: {  	_ =	shalt  }
0x84: {  	_ =	shalt  }
0x85: {  	_ =	shalt  }
0x86: {  	_ =	shalt  }
0x87: {  	_ =	shalt  }
.Lfunc_end0:
.L_simem_size_0:
called_computation_lowered:
.L_overlay_start_0:
0x88: {  	s2 =	sld [smem:$0x3FD9]  }
0x89: {  	s3 =	sld [smem:$0x3FFE];
	_ =	sdelay $0x1  }
0x8a: {  	s1 =	srdreg.scid  }
0x8b: {  	s0 =	sand.u32 $0x1, s1  }
0x8c: {  	s17 =	sshll.u32 s0, $0xA;
	s2 =	sadd.s32 s3, s2  }
0x8d: {  	s2 =	sadd.s32 s2, s17  }
0x8e: {  	[smem:$0x3FC2] =	sst s2  }
0x8f: {  	_ = 	snop  }
0x90: {  	s2 =	sld [smem:$0x3FD0];
	(tm) =	ssettm $0x1  }
0x91: {  	s18 =	sld [smem:$0x3FFB];
	_ =	sdelay $0x3  }
0x92: {  	_ =	strace s18  }
0x93: {  	s3 =	sld [smem:$0x3FFC];
	_ =	sdelay $0x3  }
0x94: {  	_ =	strace s3  }
0x95: {  	s3 =	sld [smem:$0x3FFD];
	_ =	sdelay $0x3  }
0x96: {  	_ =	strace s3  }
0x97: {  	_ =	strace $0x8FFFFFFF  }
0x98: {  	s19 =	sld [smem:$0x3FDB];
	_ =	sdelay $0x1  }
0x99: {  	s4 =	simm.s32 $_scs_section_size  }
0x9a: {  	s5 =	simm.s32 $_size__tile_overlayer_lowered;
	s6 =	simm.s32 $_tile_overlayer_lowered  }
0x9b: {  	s22 =	simm.s32 $0x1BFF;
	s21 =	sshll.u32 s6, $0x1;
	s3 =	sadd.s32 s4, s19  }
0x9c: {  	s7 =	simm.s32 $0x0;
	s20 =	sshll.u32 s5, $0x1;
	s5 =	sadd.s32 s21, s3  }
0x9d: {  	[timem:s7], [sflag:s22] =	dma.local [hbm:s5], s20  }
0x9e: {  	_ =	swait.ge [sflag:s22], s20  }
0x9f: {  	s4 =	ssub.s32 $0x0, s20;
	[sflag:s22] =	ssyncset.done $0x0  }
0xa0: {  	[sflag:s22] =	ssyncadd.s32 s4;
	_ =	sdelay $0x1  }
0xa1: {  	s23 =	simm.s32 $0x1B8B  }
0xa2: {  	_ =	swait.ge [sflag:s23], $0x1  }
0xa3: {  	[sflag:s23] =	ssyncset.done $0x0  }
0xa4: {  	s25 =	simm.s32 $0x1B8E;
	s24 =	sld [smem:$0x3FFE];
	[sflag:s23] =	ssyncadd.s32 $0xFFFFFFFF  }
0xa5: {  	s26 =	simm.s32 $execute0_lowered;
	[smem:$0x3FD2] =	sst s25  }
0xa6: {  	s5 =	sshll.u32 s26, $0x1;
	_ =	strace $0x80000046;
	[dreg:$0x1] =	wrdreg $0xFFFFFFFF  }
0xa7: {  	s28 =	simm.s32 $_size_execute0_lowered;
	s3 =	sadd.s32 s3, s5;
	[dreg:$0x0] =	wrdreg $0x0  }
0xa8: {  	s5 =	sshll.u32 s28, $0x1;
	[dreg:$0x2] =	wrdreg s3  }
0xa9: {  	[dreg:$0x3] =	wrdreg s5  }
0xaa: {  	[dreg:$0x4] =	wrdreg $0xC0  }
0xab: {  	_ =	task [dreg:s7], $0x5FFFF  }
0xac: {  	[dreg:$0x1] =	wrdreg $0xFFFFFFFF  }
0xad: {  	[dreg:$0x0] =	wrdreg $0x60  }
0xae: {  	[dreg:$0x2] =	wrdreg s2  }
0xaf: {  	[dreg:$0x3] =	wrdreg s24  }
0xb0: {  	[dreg:$0x4] =	wrdreg $0x9  }
0xb1: {  	_ =	task.clear_ibuf [dreg:s7], $0x5FFFF;
	_ =	strace $0x90000046  }
0xb2: {  	s29 =	simm.s32 $0x9;
	_ =	strace $0x8000004F  }
0xb3: {  	_ =	swait.ge [sflag:s29], $0x1  }
0xb4: {  	[sflag:s29] =	ssyncadd.s32 $0xFFFFFFFF  }
0xb5: {  	_ =	strace $0x9000004F  }
0xb6: {  	_ =	sfence  }
0xb7: {  	s30 =	sld [smem:$0x0];
	_ =	sdelay $0x2  }
0xb8: {  	s31 =	sshll.u32 s1, $0xD;
	s1 =	sshrl.u32 s1, $0x2  }
0xb9: {  	s3 =	sand.u32 $0x4000, s31;
	s1 =	sadd.s32 s1, s30  }
0xba: {  	s0 =	sor.u32 s3, s0;
	s1 =	sshll.u32 s1, $0x11  }
0xbb: {  	s0 =	sor.u32 s1, s0  }
0xbc: {  	s0 =	sadd.s32 $0x8F2B, s0  }
0xbd: {  	[sflag:s0] =	ssyncadd.remote.s32 $0x1  }
0xbe: {  	_ =	sfence.sel $0xFFFF  }
0xbf: {  	[dreg:$0x0] =	wrdreg $0xFFFFFFFF;
	(pc) =	sbr.abs _section_cstart, $3  }
0xc0: {  	[dreg:$0x1] =	wrdreg $0xFFFFFFFF  }
0xc1: {  	_ =	task.clear_ibuf [dreg:s7], $0x2FFFF;
	_ =	strace $0x9FFFFFFF  }
0xc2: {  	(tm) =	ssettm $0x7FFFFFFF  }
0xc3: {  	_ =	shalt  }
tec
execute0_lowered:
.L_overlay_start_1:
0x0: {  	(tag) =	ssettag $0x1  }
0x1: {  	s0 =	srdreg.scid  }
0x2: {  	s2 =	rddreg [dreg:$0x0];
	s31 =	stileid.u32;
	s1 =	sand.u32 $0x1, s0  }
0x3: {  	s6 =	rddreg [dreg:$0x1];
	s11 =	simm.s32 $0x80;
	s3 =	sshll.u32 s1, $0x4  }
0x4: {  	s12 =	simm.s32 $0x5;
	s13 =	simm.s32 $0x0;
	s4 =	sor.u32 s31, s3  }
0x5: {  	s1 =	ssub.s32 $0x2, s1;
	s3 =	simm.s32 $0x0;
	s5 =	smul.u32 $0x1B, s4  }
0x6: {  	s8 =	sshrl.u32 s1, $0x1;
	[smem:$0x7FF] =	sst s3;
	s7 =	smul.u32 $0x1C, s4  }
0x7: {  	p0 =	slt.u32 s4, $0xF;
	_ =	strace $0x80000047;
	s4 =	sadd.s32 $0xF, s5  }
0x8: {  	s5 =	sadd.s32 $0x1200, s6;
	s6 =	sadd.s32 $0xEE00, s6;
	s4 =	smov.u32 @p0 s7  }
0x9: {  	[dreg:$0x3] =	wrdreg s6;
	s6 =	simm.s32 $0x1C;
	s7 =	sshll.u32 s4, $0x6  }
0xa: {  	s1 =	ssub.s32 s1, s8;
	s6 =	simm.s32 @!p0 $0x1B;
	s7 =	sand.u32 $0x1FFFFFC0, s7  }
0xb: {  	s9 =	smax.u32 s1, $0x1;
	s8 =	sadd.s32 $0xFFFFFFFF, s6;
	s7 =	sadd.s32 s5, s7  }
.LBB2_1:
0xc: {  	_ =	strace $0x80000048  }
0xd: {  	p0 =	seq.s32 s6, $0x1;
	s15 =	simm.s32 $0x1;
	p4 =	sne.s32 s6, $0x1  }
0xe: {  	[tilespmem:s3], [sflag:$0x1] =	stream.linear.gather [hbm4b:s7+s3], $0x200, $0x200038;
	[tilespmem:$0x10400] =	vst v63  }
.Ltmp0:
0xf: {  	s15 =	simm.s32 @p0 $0x0;
	(pc) =	sbr.rel @!p4 .LBB2_2-.Ltmp0, $4  }
0x10: {  	p1 =	sgt.u32 s8, $0x0;
	p0 =	sne.s32 s15, $0x0  }
0x11: {  	s14 =	simm.s32 $0x1;
	s0 =	simm.s32 $0x1;
	p2 =	por !p1, !p0  }
0x12: {  	_ =	strace $0x90000048;
	p1 =	por $0x1, $0x1;
	p3 =	por !p2, !p2  }
0x13: {  	p2 =	por $0x0, $0x0;
	s25 =	sand.u32 @p3 $0x1, s0;
	s30 =	sadd.s32 @p3 s4, s15  }
0x14: {  	s1 =	sshll.u32 @p3 s30, $0x6  }
0x15: {  	s16 =	simm.s32 @p3 $0x0;
	_ =	strace @p3 $0x80000049;
	s1 =	sand.u32 @p3 $0x1FFFFFC0, s1  }
0x16: {  	s17 =	sshll.u32 @p3 s25, $0x9;
	s18 =	sadd.s32 @p3 $0x1, s25;
	s1 =	sadd.s32 @p3 s5, s1  }
0x17: {  	[tilespmem:s17], [sflag:s18] =	stream.linear.gather @p3 [hbm4b:s1+s16], $0x200, $0x200038;
	[tilespmem:$0x10400] =	vst v63  }
0x18: {  	s1 =	sand.u32 $0x1, s3;
	_ =	strace @p3 $0x90000049  }
0x19: {  	s25 =	simm.s32 $0x0;
	s24 =	sadd.s32 $0x1, s1;
	_ =	strace $0x8000004A  }
0x1a: {  	p5 =	sne.s32 s6, $0x2;
	p6 =	seq.s32 s8, $0x0;
	_ =	swait.ge [sflag:s24], $0x200  }
0x1b: {  	p4 =	por p1, p1;
	p6 =	por p6, p0;
	[sflag:s24] =	ssyncset.done $0x0  }
0x1c: {  	p2 =	por $0x0, $0x0;
	s29 =	simm.s32 @p6 $0x0;
	[sflag:s24] =	ssyncadd.s32 $0xFFFFFE00  }
0x1d: {  	s16 =	sand.u32 $0x200, s25;
	s26 =	sshll.u32 s1, $0xF;
	_ =	strace $0x9000004A  }
0x1e: {  	s17 =	simm.s32 $0x2;
	s20 =	sor.u32 $0x400, s26;
	_ =	strace $0x8000004B  }
0x1f: {  	[tilespmem:s20], [sflag:$0x5] =	stream.indirect.gather [hbm4b:s2+s11], $0x40, s16, s11, $0x2000b8;
	[tilespmem:$0x10400] =	vst v63  }
0x20: {  	s21 =	sor.u32 $0x80, s16;
	s23 =	sor.u32 $0x100, s16;
	_ =	swait.ge [sflag:s12], $0x2000  }
0x21: {  	s19 =	sor.u32 $0x2400, s26;
	s22 =	sor.u32 $0x4400, s26;
	[sflag:s12] =	ssyncset.done $0x0  }
0x22: {  	s18 =	sor.u32 $0x6400, s26;
	s26 =	simm.s32 $0x1;
	[sflag:s12] =	ssyncadd.s32 $0xFFFFE000  }
0x23: {  	[tilespmem:s19], [sflag:$0x5] =	stream.indirect.gather [hbm4b:s2+s11], $0x40, s21, s11, $0x2000b8;
	[tilespmem:$0x10400] =	vst v63  }
0x24: {  	s28 =	sadd.s32 @p6 $0x3, s1;
	s26 =	simm.s32 @!p6 $0x0;
	_ =	swait.ge [sflag:s12], $0x2000  }
0x25: {  	s16 =	sor.u32 $0x180, s16;
	s19 =	sand.u32 @!p1 $0x1, s3;
	[sflag:s12] =	ssyncset.done $0x0  }
0x26: {  	s21 =	sadd.s32 $0x0, s4;
	p1 =	por $0x0, $0x0;
	[sflag:s12] =	ssyncadd.s32 $0xFFFFE000  }
0x27: {  	[tilespmem:s22], [sflag:$0x5] =	stream.indirect.gather [hbm4b:s2+s11], $0x40, s23, s11, $0x2000b8;
	[tilespmem:$0x10400] =	vst v63  }
0x28: {  	s24 =	sadd.s32 @!p4 $0x3, s19;
	s19 =	simm.s32 $0x1;
	s22 =	sadd.s32 $0x1, s15  }
0x29: {  	s1 =	sshll.u32 @p6 s21, $0xC;
	_ =	swait.ge [sflag:s12], $0x2000;
	p0 =	seq.s32 s22, s6  }
0x2a: {  	s21 =	simm.s32 $0x0;
	[sflag:s12] =	ssyncset.done $0x0;
	s22 =	simm.s32 @p0 $0x0  }
0x2b: {  	s19 =	simm.s32 @!p2 $0x0;
	[sflag:s12] =	ssyncadd.s32 $0xFFFFE000;
	p0 =	sne.s32 s15, s22  }
0x2c: {  	[tilespmem:s18], [sflag:$0x5] =	stream.indirect.gather [hbm4b:s2+s11], $0x40, s16, s11, $0x2000b8;
	[tilespmem:$0x10400] =	vst v63  }
0x2d: {  	s16 =	simm.s32 $0x1;
	s18 =	sadd.s32 $0x0, s26;
	_ =	swait.ge [sflag:s12], $0x2000  }
.Ltmp1:
0x2e: {  	s16 =	simm.s32 @!p3 $0x0;
	[sflag:s12] =	ssyncset.done $0x0;
	(pc) =	sbr.rel @!p5 .LBB2_4-.Ltmp1, $4  }
0x2f: {  	p3 =	sgt.u32 s8, $0x1;
	s23 =	sadd.s32 $0x1, s16;
	[sflag:s12] =	ssyncadd.s32 $0xFFFFE000  }
0x30: {  	p2 =	por !p3, !p0;
	s16 =	simm.s32 $0x0;
	_ =	strace $0x9000004B  }
0x31: {  	p3 =	por !p2, !p2;
	p2 =	por $0x1, $0x1;
	_ =	strace @p6 $0x8000004C  }
0x32: {  	s25 =	sand.u32 @p3 $0x1, s23;
	s30 =	sadd.s32 @p3 s4, s22;
	s31 =	rddreg [dreg:$0x3]  }
.LBB2_5:
0x33: {  	s1 =	sand.u32 @p6 $0x1FFFF000, s1  }
0x34: {  	s1 =	sadd.s32 @p6 s31, s1  }
0x35: {  	[hbm4b:s1+s29] =	stream.linear.scatter @p6 [tilespmem:s20], [sflag:s28], $0x8000, $0x200038;
	[tilespmem:$0x10400] =	vst v63  }
0x36: {  	_ =	strace @p6 $0x9000004C  }
0x37: {  	_ =	strace @!p4 $0x8000004D  }
0x38: {  	_ =	swait.ge @!p4 [sflag:s24], $0x8000  }
0x39: {  	s30 =	sshll.u32 @p3 s30, $0x6;
	[sflag:s24] =	ssyncset.done @!p4 $0x0  }
0x3a: {  	s21 =	sadd.s32 s26, s21;
	s30 =	sand.u32 @p3 $0x1FFFFFC0, s30;
	[sflag:s24] =	ssyncadd.s32 @!p4 $0xFFFF8000  }
0x3b: {  	s1 =	sadd.s32 @p3 s5, s30;
	s20 =	simm.s32 @p3 $0x0;
	_ =	strace @!p4 $0x9000004D  }
0x3c: {  	s24 =	sshll.u32 @p3 s25, $0x9;
	s25 =	sadd.s32 @p3 $0x1, s25;
	_ =	strace @p3 $0x80000049  }
0x3d: {  	[tilespmem:s24], [sflag:s25] =	stream.linear.gather @p3 [hbm4b:s1+s20], $0x200, $0x200038;
	[tilespmem:$0x10400] =	vst v63  }
0x3e: {  	s0 =	sand.u32 $0x1, s21;
	_ =	strace @p3 $0x90000049  }
0x3f: {  	s0 =	sadd.s32 $0x1, s0;
	_ =	strace $0x8000004A  }
0x40: {  	s26 =	smov.u32 s14;
	s14 =	smov.u32 s17;
	_ =	swait.ge [sflag:s0], $0x200  }
0x41: {  	s17 =	sadd.s32 $0x1, s17;
	s16 =	sadd.s32 s19, s16;
	[sflag:s0] =	ssyncset.done $0x0  }
0x42: {  	p5 =	sne.s32 s6, s17;
	[sflag:s0] =	ssyncadd.s32 $0xFFFFFE00;
	s0 =	sand.u32 $0x1, s18  }
0x43: {  	s28 =	sshll.u32 s21, $0x9;
	_ =	strace $0x9000004A;
	s1 =	sshll.u32 s0, $0xF  }
0x44: {  	s25 =	sand.u32 $0x200, s28;
	_ =	strace $0x8000004B;
	s20 =	sor.u32 $0x400, s1  }
0x45: {  	[tilespmem:s20], [sflag:$0x5] =	stream.indirect.gather [hbm4b:s2+s11], $0x40, s25, s11, $0x2000b8;
	[tilespmem:$0x10400] =	vst v63  }
0x46: {  	s19 =	sand.u32 @!p1 $0x1, s16;
	p6 =	sne.s32 s26, $0x0;
	_ =	swait.ge [sflag:s12], $0x2000  }
0x47: {  	p4 =	por p1, p1;
	p1 =	seq.s32 s14, $0x0;
	[sflag:s12] =	ssyncset.done $0x0  }
0x48: {  	s28 =	sor.u32 $0x80, s25;
	s10 =	sor.u32 $0x2400, s1;
	[sflag:s12] =	ssyncadd.s32 $0xFFFFE000  }
0x49: {  	[tilespmem:s10], [sflag:$0x5] =	stream.indirect.gather [hbm4b:s2+s11], $0x40, s28, s11, $0x2000b8;
	[tilespmem:$0x10400] =	vst v63  }
0x4a: {  	s24 =	sor.u32 $0x4400, s1;
	s1 =	sor.u32 $0x6400, s1;
	_ =	swait.ge [sflag:s12], $0x2000  }
0x4b: {  	s10 =	sadd.s32 s4, s15;
	s15 =	smov.u32 s22;
	[sflag:s12] =	ssyncset.done $0x0  }
0x4c: {  	s28 =	sor.u32 $0x100, s25;
	s25 =	sor.u32 $0x180, s25;
	[sflag:s12] =	ssyncadd.s32 $0xFFFFE000  }
0x4d: {  	[tilespmem:s24], [sflag:$0x5] =	stream.indirect.gather [hbm4b:s2+s11], $0x40, s28, s11, $0x2000b8;
	[tilespmem:$0x10400] =	vst v63  }
0x4e: {  	s22 =	sadd.s32 $0x1, s22;
	s24 =	sadd.s32 @!p4 $0x3, s19;
	s19 =	simm.s32 $0x1  }
0x4f: {  	_ =	swait.ge [sflag:s12], $0x2000;
	s19 =	simm.s32 @!p6 $0x0;
	p6 =	seq.s32 s8, s26  }
0x50: {  	s26 =	simm.s32 $0x1;
	[sflag:s12] =	ssyncset.done $0x0;
	p6 =	por p6, p0  }
0x51: {  	p0 =	seq.s32 s22, s6;
	[sflag:s12] =	ssyncadd.s32 $0xFFFFE000;
	s28 =	sadd.s32 @p6 $0x3, s0  }
0x52: {  	s22 =	simm.s32 @p0 $0x0;
	s29 =	simm.s32 @p6 $0x0;
	s26 =	simm.s32 @!p6 $0x0  }
0x53: {  	[tilespmem:s1], [sflag:$0x5] =	stream.indirect.gather [hbm4b:s2+s11], $0x40, s25, s11, $0x2000b8;
	[tilespmem:$0x10400] =	vst v63  }
0x54: {  	s1 =	simm.s32 $0x1;
	p0 =	sne.s32 s15, s22;
	_ =	swait.ge [sflag:s12], $0x2000  }
.Ltmp2:
0x55: {  	s18 =	sadd.s32 s26, s18;
	[sflag:s12] =	ssyncset.done $0x0;
	(pc) =	sbr.rel @p5 .LBB2_5-.Ltmp2, $4  }
0x56: {  	s1 =	simm.s32 @!p3 $0x0;
	p3 =	slt.u32 s14, s8;
	[sflag:s12] =	ssyncadd.s32 $0xFFFFE000  }
0x57: {  	s23 =	sadd.s32 s1, s23;
	p3 =	por !p3, !p0;
	_ =	strace $0x9000004B  }
0x58: {  	s1 =	sshll.u32 @p6 s10, $0xC;
	p3 =	por !p3, !p3;
	_ =	strace @p6 $0x8000004C  }
0x59: {  	s25 =	sand.u32 @p3 $0x1, s23;
	s30 =	sadd.s32 @p3 s4, s22;
	s31 =	rddreg [dreg:$0x3]  }
.LBB2_6:
0x5a: {  	p5 =	por !p6, !p2  }
0x5b: {  	s0 =	sand.u32 @!p5 $0x1FFFF000, s1  }
0x5c: {  	s0 =	sadd.s32 @!p5 s31, s0  }
0x5d: {  	[hbm4b:s0+s29] =	stream.linear.scatter @!p5 [tilespmem:s20], [sflag:s28], $0x8000, $0x200038;
	[tilespmem:$0x10400] =	vst v63  }
0x5e: {  	p4 =	por p4, !p2;
	_ =	strace @!p5 $0x9000004C  }
0x5f: {  	_ =	strace @!p4 $0x8000004D  }
0x60: {  	s10 =	simm.s32 $0x0;
	_ =	swait.ge @!p4 [sflag:s24], $0x8000  }
0x61: {  	s17 =	sshll.u32 @p3 s25, $0x9;
	s1 =	sadd.s32 @p2 s26, s21;
	[sflag:s24] =	ssyncset.done @!p4 $0x0  }
0x62: {  	s10 =	smov.u32 @p2 s1;
	s0 =	sshll.u32 @p3 s30, $0x6;
	[sflag:s24] =	ssyncadd.s32 @!p4 $0xFFFF8000  }
0x63: {  	s1 =	simm.s32 @p3 $0x0;
	s0 =	sand.u32 @p3 $0x1FFFFFC0, s0;
	_ =	strace @!p4 $0x9000004D  }
0x64: {  	s20 =	sadd.s32 @p3 $0x1, s25;
	s0 =	sadd.s32 @p3 s5, s0;
	_ =	strace @p3 $0x80000049  }
0x65: {  	[tilespmem:s17], [sflag:s20] =	stream.linear.gather @p3 [hbm4b:s0+s1], $0x200, $0x200038;
	[tilespmem:$0x10400] =	vst v63  }
0x66: {  	s23 =	sand.u32 $0x1, s10;
	_ =	strace @p3 $0x90000049  }
0x67: {  	s0 =	sadd.s32 $0x1, s23;
	_ =	strace $0x8000004A  }
0x68: {  	_ =	swait.ge [sflag:s0], $0x200  }
0x69: {  	[sflag:s0] =	ssyncset.done $0x0  }
0x6a: {  	[sflag:s0] =	ssyncadd.s32 $0xFFFFFE00;
	s0 =	sand.u32 $0x1, s18  }
0x6b: {  	s24 =	sshll.u32 s10, $0x9;
	_ =	strace $0x9000004A;
	s25 =	sshll.u32 s0, $0xF  }
0x6c: {  	s1 =	sand.u32 $0x200, s24;
	_ =	strace $0x8000004B;
	s17 =	sor.u32 $0x400, s25  }
0x6d: {  	[tilespmem:s17], [sflag:$0x5] =	stream.indirect.gather [hbm4b:s2+s11], $0x40, s1, s11, $0x2000b8;
	[tilespmem:$0x10400] =	vst v63  }
0x6e: {  	_ =	swait.ge [sflag:s12], $0x2000  }
0x6f: {  	[sflag:s12] =	ssyncset.done $0x0  }
0x70: {  	s28 =	sor.u32 $0x80, s1;
	s26 =	sor.u32 $0x2400, s25;
	[sflag:s12] =	ssyncadd.s32 $0xFFFFE000  }
0x71: {  	[tilespmem:s26], [sflag:$0x5] =	stream.indirect.gather [hbm4b:s2+s11], $0x40, s28, s11, $0x2000b8;
	[tilespmem:$0x10400] =	vst v63  }
0x72: {  	_ =	swait.ge [sflag:s12], $0x2000  }
0x73: {  	[sflag:s12] =	ssyncset.done $0x0  }
0x74: {  	s30 =	sor.u32 $0x100, s1;
	s29 =	sor.u32 $0x4400, s25;
	[sflag:s12] =	ssyncadd.s32 $0xFFFFE000  }
0x75: {  	[tilespmem:s29], [sflag:$0x5] =	stream.indirect.gather [hbm4b:s2+s11], $0x40, s30, s11, $0x2000b8;
	[tilespmem:$0x10400] =	vst v63  }
0x76: {  	_ =	swait.ge [sflag:s12], $0x2000  }
0x77: {  	[sflag:s12] =	ssyncset.done $0x0  }
0x78: {  	s10 =	sor.u32 $0x6400, s25;
	s1 =	sor.u32 $0x180, s1;
	[sflag:s12] =	ssyncadd.s32 $0xFFFFE000  }
0x79: {  	[tilespmem:s10], [sflag:$0x5] =	stream.indirect.gather [hbm4b:s2+s11], $0x40, s1, s11, $0x2000b8;
	[tilespmem:$0x10400] =	vst v63  }
0x7a: {  	_ =	swait.ge [sflag:s12], $0x2000  }
0x7b: {  	p6 =	seq.s32 s8, s14;
	[sflag:s12] =	ssyncset.done $0x0  }
0x7c: {  	p0 =	por p6, p0;
	[sflag:s12] =	ssyncadd.s32 $0xFFFFE000  }
0x7d: {  	s0 =	sadd.s32 @p0 $0x3, s0;
	s1 =	sadd.s32 s4, s15;
	_ =	strace $0x9000004B  }
0x7e: {  	s15 =	sadd.s32 @p2 s19, s16;
	s1 =	sshll.u32 @p0 s1, $0xC;
	_ =	strace @p0 $0x8000004C  }
0x7f: {  	s16 =	simm.s32 $0x0;
	s1 =	sand.u32 @p0 $0x1FFFF000, s1;
	s10 =	rddreg [dreg:$0x3]  }
0x80: {  	s16 =	smov.u32 @p2 s15;
	s15 =	simm.s32 @p0 $0x0;
	s1 =	sadd.s32 @p0 s10, s1  }
0x81: {  	[hbm4b:s1+s15] =	stream.linear.scatter @p0 [tilespmem:s17], [sflag:s0], $0x8000, $0x200038;
	[tilespmem:$0x10400] =	vst v63  }
0x82: {  	s0 =	sand.u32 @!p1 $0x1, s16;
	p1 =	por p1, p1;
	_ =	strace @p0 $0x9000004C  }
0x83: {  	s0 =	sadd.s32 @!p1 $0x3, s0;
	_ =	strace @!p1 $0x8000004D  }
0x84: {  	s1 =	simm.s32 $0x1;
	p0 =	sne.s32 s14, $0x0;
	_ =	swait.ge @!p1 [sflag:s0], $0x8000  }
0x85: {  	s1 =	simm.s32 @!p0 $0x0;
	[sflag:s0] =	ssyncset.done @!p1 $0x0  }
0x86: {  	s13 =	sadd.s32 $0x1, s13;
	s1 =	sadd.s32 s1, s16;
	[sflag:s0] =	ssyncadd.s32 @!p1 $0xFFFF8000  }
0x87: {  	p0 =	sne.s32 s13, s9;
	s31 =	sand.u32 $0x1, s1;
	_ =	strace @!p1 $0x9000004D  }
.Ltmp3:
0x88: {  	s0 =	sadd.s32 $0x3, s31;
	_ =	strace $0x8000004E;
	(pc) =	sbr.rel @p0 .LBB2_1-.Ltmp3, $4  }
.Ltmp4:
0x89: {  	_ =	swait.ge [sflag:s0], $0x8000;
	(pc) =	sbr.rel @!p0 .LBB2_7-.Ltmp4, $4  }
0x8a: {  	[sflag:s0] =	ssyncset.done $0x0  }
0x8b: {  	[sflag:s0] =	ssyncadd.s32 $0xFFFF8000  }
0x8c: {  	_ =	strace $0x9000004E  }
0x8d: {  	_ = 	snop  }
.LBB2_2:
.Ltmp5:
0x8e: {  	(pc) =	sbr.rel .LBB2_6-.Ltmp5, $3  }
0x8f: {  	_ =	sdelay $0x1  }
0x90: {  	s21 =	simm.s32 $0x0;
	s14 =	simm.s32 $0x0  }
0x91: {  	s16 =	simm.s32 $0x0;
	s18 =	simm.s32 $0x0;
	s15 =	simm.s32 $0x0  }
.LBB2_4:
.Ltmp6:
0x92: {  	(pc) =	sbr.rel .LBB2_6-.Ltmp6, $2  }
0x93: {  	_ =	sdelay $0x2  }
0x94: {  	s21 =	simm.s32 $0x0;
	s16 =	simm.s32 $0x0  }
.LBB2_7:
0x95: {  	_ =	sfence.sel $0x180000  }
0x96: {  	[bflag:$0x0] =	sbarrier.arrive $0xFFFF  }
0x97: {  	_ =	strace $0x90000047  }
0x98: {  	s0 =	stileid.u32;
	[bflag:$0x2] =	sbarrier.arrive $0xFFFF  }
0x99: {  	p0 =	sne.s32 s0, $0x0;
	s0 =	rddreg [dreg:$0x2]  }
0x9a: {  	s0 =	sadd.s32 @!p0 $0x100000, s0  }
0x9b: {  	[sflag:s0] =	ssyncadd.tile.s32 @!p0 $0x1;
	_ =	shalt  }
.Lfunc_end2:
_tile_overlayer_lowered:
.L_overlay_start_2:
0x9c: {  	(tag) =	ssettag $0x2  }
0x9d: {  	s0 =	rddreg [dreg:$0x0];
	s2 =	stileid.u32  }
0x9e: {  	s1 =	rddreg [dreg:$0x1];
	p0 =	sne.s32 s2, $0x0  }
0x9f: {  	s3 =	rddreg [dreg:$0x2];
	[bflag:$0x3] =	sbarrier.arrive $0xFFFF;
	s2 =	simm.s32 @!p0 $0x1C01  }
0xa0: {  	[timem:s3], [sflag:s2] =	dma.local @!p0 [hbm:s0], s1  }
0xa1: {  	s0 =	simm.s32 @!p0 $0x1  }
0xa2: {  	_ =	swait.ge @!p0 [sflag:s0], s1  }
0xa3: {  	s1 =	ssub.s32 @!p0 $0x0, s1;
	[sflag:s0] =	ssyncset.done @!p0 $0x0  }
0xa4: {  	[sflag:s0] =	ssyncadd.s32 @!p0 s1  }
0xa5: {  	[bflag:$0x3] =	sbarrier.arrive $0xFFFF  }
0xa6: {  	_ =	shalt  }

</sc_bundles>
